<compile_context>
chip_gen: v7x
topology: tpu7x:2x2x1
jax: 0.10.2.dev20260603
libtpu: 0.0.44.dev20260713+nightly
codegen_flags: <defaults>
</compile_context>

<pallas_src>
import functools

import jax
import jax.numpy as jnp
from jax import lax
from jax.experimental import pallas as pl
from jax.experimental.pallas import tpu as pltpu
from jax.experimental.pallas import tpu_sc as plsc

T = 2048
H = 1024
F = 4096
E = 8
K = 2
CAP = 640
NCLS = 10
SLOTS = E * CAP
PAD_SLOTS = SLOTS + 8
LANES = 128

TT = 256
NT = T // TT
FC = 512
NF = F // FC

NW = 32
TPW = T // NW
TPW2 = TPW // 2


def _ka_body(x_ref, Wb_ref, bb_ref, Wg_ref, Wc_ref, bc_ref,
             h_ref, s0_ref, s1_ref, g0s_ref, g1s_ref, w0_ref, w1_ref,
             laux_ref, cnt_ref, c0_ref, c1_ref, base_ref, me_ref, ce_ref):
    ti = pl.program_id(0)

    @pl.when(ti == 0)
    def _():
        base_ref[...] = jnp.zeros((1, LANES), jnp.float32)
        me_ref[...] = jnp.zeros((1, LANES), jnp.float32)
        ce_ref[...] = jnp.zeros((1, LANES), jnp.float32)

    xt = x_ref[...]
    ht = jnp.maximum(
        jnp.dot(xt, Wb_ref[...], preferred_element_type=jnp.float32)
        + bb_ref[...], 0.0)
    h_ref[...] = ht

    lanef = jax.lax.broadcasted_iota(
        jnp.int32, (TT, LANES), 1).astype(jnp.float32)
    elane = lanef < E
    lg = jnp.dot(ht, Wg_ref[...], preferred_element_type=jnp.float32)
    lg = jnp.where(elane, lg, -1e30)
    m = jnp.max(lg, axis=1, keepdims=True)
    el = jnp.where(elane, jnp.exp(lg - m), 0.0)
    probs = el / jnp.sum(el, axis=1, keepdims=True)

    p1 = jnp.max(probs, axis=1, keepdims=True)
    i1 = jnp.min(jnp.where(probs == p1, lanef, 1e9), axis=1, keepdims=True)
    oh0 = (lanef == i1).astype(jnp.float32)
    probs2 = jnp.where(lanef == i1, -1.0, probs)
    p2 = jnp.max(probs2, axis=1, keepdims=True)
    i2 = jnp.min(jnp.where(probs2 == p2, lanef, 1e9), axis=1, keepdims=True)
    oh1 = (lanef == i2).astype(jnp.float32)

    r = jax.lax.broadcasted_iota(jnp.int32, (TT, TT), 0)
    c = jax.lax.broadcasted_iota(jnp.int32, (TT, TT), 1)
    Lst = (r > c).astype(jnp.float32)
    ohsum = oh0 + oh1
    prevc = jnp.dot(Lst, ohsum, preferred_element_type=jnp.float32)
    basec = base_ref[...]
    loc0 = jnp.sum(oh0 * (prevc + basec), axis=1, keepdims=True)
    loc1 = jnp.sum(oh1 * (prevc + basec), axis=1, keepdims=True)

    base_ref[...] = basec + jnp.sum(ohsum, axis=0, keepdims=True)
    me_ref[...] += jnp.sum(probs, axis=0, keepdims=True)
    ce_ref[...] += jnp.sum(oh0, axis=0, keepdims=True)

    p12 = p1 + p2
    w0 = p1 / p12
    w1 = p2 / p12
    v0 = loc0 < CAP
    v1 = loc1 < CAP
    s0 = jnp.where(v0, i1 * CAP + loc0, float(SLOTS))
    s1 = jnp.where(v1, i2 * CAP + loc1, float(SLOTS))
    s0_ref[...] = s0.astype(jnp.int32)
    s1_ref[...] = s1.astype(jnp.int32)
    g0s_ref[...] = jnp.minimum(s0, float(SLOTS - 1)).astype(jnp.int32)
    g1s_ref[...] = jnp.minimum(s1, float(SLOTS - 1)).astype(jnp.int32)
    w0_ref[...] = jnp.where(v0, w0, 0.0)
    w1_ref[...] = jnp.where(v1, w1, 0.0)

    clane = lanef < 2
    cl = jnp.dot(ht, Wc_ref[...], preferred_element_type=jnp.float32)
    cl = jnp.where(clane, cl + bc_ref[...], -1e30)
    cm = jnp.max(cl, axis=1, keepdims=True)
    cexp = jnp.where(clane, jnp.exp(cl - cm), 0.0)
    cprob = cexp / jnp.sum(cexp, axis=1, keepdims=True)
    c0_ref[...] = jnp.sum(jnp.where(lanef == 0, cprob, 0.0),
                          axis=1, keepdims=True)
    c1_ref[...] = jnp.sum(jnp.where(lanef == 1, cprob, 0.0),
                          axis=1, keepdims=True)

    @pl.when(ti == NT - 1)
    def _():
        me = me_ref[...] / T
        ce = ce_ref[...] / T
        laux_ref[...] = E * jnp.sum(me * ce, axis=(0, 1), keepdims=True)
        cnt_ref[...] = base_ref[...].astype(jnp.int32)


def _routing(x, Wb, bb, Wg_pad, Wc_pad, bc_pad):
    col = lambda t: (t, 0)
    fixed = lambda t: (0, 0)
    return pl.pallas_call(
        _ka_body,
        grid=(NT,),
        in_specs=[
            pl.BlockSpec((TT, H), col),
            pl.BlockSpec((H, H), fixed),
            pl.BlockSpec((1, H), fixed),
            pl.BlockSpec((H, LANES), fixed),
            pl.BlockSpec((H, LANES), fixed),
            pl.BlockSpec((1, LANES), fixed),
        ],
        out_specs=[
            pl.BlockSpec((TT, H), col),
            pl.BlockSpec((TT, 1), col),
            pl.BlockSpec((TT, 1), col),
            pl.BlockSpec((TT, 1), col),
            pl.BlockSpec((TT, 1), col),
            pl.BlockSpec((TT, 1), col),
            pl.BlockSpec((TT, 1), col),
            pl.BlockSpec((1, 1), fixed),
            pl.BlockSpec((1, LANES), fixed),
            pl.BlockSpec((TT, 1), col),
            pl.BlockSpec((TT, 1), col),
        ],
        out_shape=[
            jax.ShapeDtypeStruct((T, H), jnp.float32),
            jax.ShapeDtypeStruct((T, 1), jnp.int32),
            jax.ShapeDtypeStruct((T, 1), jnp.int32),
            jax.ShapeDtypeStruct((T, 1), jnp.int32),
            jax.ShapeDtypeStruct((T, 1), jnp.int32),
            jax.ShapeDtypeStruct((T, 1), jnp.float32),
            jax.ShapeDtypeStruct((T, 1), jnp.float32),
            jax.ShapeDtypeStruct((1, 1), jnp.float32),
            jax.ShapeDtypeStruct((1, LANES), jnp.int32),
            jax.ShapeDtypeStruct((T, 1), jnp.float32),
            jax.ShapeDtypeStruct((T, 1), jnp.float32),
        ],
        scratch_shapes=[
            pltpu.VMEM((1, LANES), jnp.float32),
            pltpu.VMEM((1, LANES), jnp.float32),
            pltpu.VMEM((1, LANES), jnp.float32),
        ],
    )(x, Wb, bb, Wg_pad, Wc_pad, bc_pad)


def _sc_dispatch(h, s0w, s1w):
    mesh = plsc.VectorSubcoreMesh(core_axis_name="c", subcore_axis_name="s")

    @functools.partial(
        pl.kernel, mesh=mesh,
        out_type=jax.ShapeDtypeStruct((PAD_SLOTS, H), jnp.float32),
        scratch_types=[
            pltpu.VMEM((TPW,), jnp.int32),
            pltpu.VMEM((TPW,), jnp.int32),
            pltpu.VMEM((TPW, H), jnp.float32),
            pltpu.SemaphoreType.DMA,
        ],
    )
    def run(h_hbm, s0_hbm, s1_hbm, buf_hbm, idx0_v, idx1_v, rows_v, sem):
        wid = lax.axis_index("s") * 2 + lax.axis_index("c")
        base = wid * TPW
        pltpu.sync_copy(s0_hbm.at[wid], idx0_v)
        pltpu.sync_copy(s1_hbm.at[wid], idx1_v)
        pltpu.sync_copy(h_hbm.at[pl.ds(base, TPW)], rows_v)
        pltpu.async_copy(rows_v, buf_hbm.at[idx0_v], sem).wait()
        pltpu.async_copy(rows_v, buf_hbm.at[idx1_v], sem).wait()

    return run(h, s0w, s1w)


def _kc_body(cnt_ref, buf_ref, W1_ref, b1_ref, W2_ref, b2_ref, eout_ref,
             bufb_ref, acc_ref):
    e = pl.program_id(0)
    nf = pl.program_id(1)

    @pl.when(nf == 0)
    def _():
        load = jnp.minimum(cnt_ref[e], CAP)
        rowi = jax.lax.broadcasted_iota(jnp.int32, (CAP, 1), 0)
        bufb_ref[...] = jnp.where(rowi < load, buf_ref[...], 0.0)

    hmid = jnp.maximum(
        jnp.dot(bufb_ref[...], W1_ref[0], preferred_element_type=jnp.float32)
        + b1_ref[0], 0.0)
    contrib = jnp.dot(hmid, W2_ref[0], preferred_element_type=jnp.float32)

    @pl.when(nf == 0)
    def _():
        acc_ref[...] = contrib + b2_ref[0]

    @pl.when(nf > 0)
    def _():
        acc_ref[...] += contrib

    @pl.when(nf == NF - 1)
    def _():
        eout_ref[...] = acc_ref[...]


def _expert_ffn(cnt, buf, W1, b1r, W2, b2r):
    return pl.pallas_call(
        _kc_body,
        grid=(E, NF),
        in_specs=[
            pl.BlockSpec(memory_space=pltpu.SMEM),
            pl.BlockSpec((CAP, H), lambda e, nf: (e, 0)),
            pl.BlockSpec((1, H, FC), lambda e, nf: (e, 0, nf)),
            pl.BlockSpec((1, 1, FC), lambda e, nf: (e, 0, nf)),
            pl.BlockSpec((1, FC, H), lambda e, nf: (e, nf, 0)),
            pl.BlockSpec((1, 1, H), lambda e, nf: (e, 0, 0)),
        ],
        out_specs=pl.BlockSpec((CAP, H), lambda e, nf: (e, 0)),
        out_shape=jax.ShapeDtypeStruct((SLOTS, H), jnp.float32),
        scratch_shapes=[pltpu.VMEM((CAP, H), jnp.float32),
                        pltpu.VMEM((CAP, H), jnp.float32)],
        compiler_params=pltpu.CompilerParams(
            dimension_semantics=("arbitrary", "arbitrary"),
            vmem_limit_bytes=100 * 1024 * 1024),
    )(cnt, buf, W1, b1r, W2, b2r)


def _sc_combine(eout, g0w, g1w):
    mesh = plsc.VectorSubcoreMesh(core_axis_name="c", subcore_axis_name="s")

    @functools.partial(
        pl.kernel, mesh=mesh,
        out_type=[
            jax.ShapeDtypeStruct((T, H), jnp.float32),
            jax.ShapeDtypeStruct((T, H), jnp.float32),
        ],
        scratch_types=[
            pltpu.VMEM((TPW,), jnp.int32),
            pltpu.VMEM((TPW, H), jnp.float32),
            pltpu.SemaphoreType.DMA,
        ],
    )
    def run(eout_hbm, g0_hbm, g1_hbm, o0_hbm, o1_hbm, idx_v, rows_v, sem):
        wid = lax.axis_index("s") * 2 + lax.axis_index("c")
        base = wid * TPW
        pltpu.sync_copy(g0_hbm.at[wid], idx_v)
        pltpu.async_copy(eout_hbm.at[idx_v], rows_v, sem).wait()
        pltpu.sync_copy(rows_v, o0_hbm.at[pl.ds(base, TPW)])
        pltpu.sync_copy(g1_hbm.at[wid], idx_v)
        pltpu.async_copy(eout_hbm.at[idx_v], rows_v, sem).wait()
        pltpu.sync_copy(rows_v, o1_hbm.at[pl.ds(base, TPW)])

    return run(eout, g0w, g1w)


SUBT = 512
NSUB = T // SUBT


def _ke_body(h_ref, Wr1_ref, br1_ref, Wr2_ref, br2_ref, res_ref, acc_ref):
    nf = pl.program_id(0)
    for tt in range(NSUB):
        hs = h_ref[pl.ds(tt * SUBT, SUBT), :]
        mid = jnp.maximum(
            jnp.dot(hs, Wr1_ref[...], preferred_element_type=jnp.float32)
            + br1_ref[...], 0.0)
        contrib = jnp.dot(mid, Wr2_ref[...],
                          preferred_element_type=jnp.float32)

        @pl.when(nf == 0)
        def _():
            acc_ref[pl.ds(tt * SUBT, SUBT), :] = contrib + br2_ref[...]

        @pl.when(nf > 0)
        def _():
            acc_ref[pl.ds(tt * SUBT, SUBT), :] += contrib

    @pl.when(nf == NF - 1)
    def _():
        res_ref[...] = acc_ref[...]


def _residual(h, Wr1, br1r, Wr2, br2r):
    fixed = lambda nf: (0, 0)
    return pl.pallas_call(
        _ke_body,
        grid=(NF,),
        in_specs=[
            pl.BlockSpec((T, H), fixed),
            pl.BlockSpec((H, FC), lambda nf: (0, nf)),
            pl.BlockSpec((1, FC), lambda nf: (0, nf)),
            pl.BlockSpec((FC, H), lambda nf: (nf, 0)),
            pl.BlockSpec((1, H), fixed),
        ],
        out_specs=pl.BlockSpec((T, H), fixed),
        out_shape=jax.ShapeDtypeStruct((T, H), jnp.float32),
        scratch_shapes=[pltpu.VMEM((T, H), jnp.float32)],
        compiler_params=pltpu.CompilerParams(
            dimension_semantics=("arbitrary",),
            vmem_limit_bytes=62 * 1024 * 1024),
    )(h, Wr1, br1r, Wr2, br2r)


def _kf_body(res_ref, ge0_ref, ge1_ref, w0_ref, w1_ref, c0_ref, c1_ref,
             Wh_ref, bh_ref, out_ref):
    moe = ge0_ref[...] * w0_ref[...] + ge1_ref[...] * w1_ref[...]
    comb = moe * c0_ref[...] + res_ref[...] * c1_ref[...]
    out_ref[...] = (
        jnp.dot(comb, Wh_ref[...], preferred_element_type=jnp.float32)
        + bh_ref[...])


def _final(res, ge0, ge1, w0, w1, c0, c1, Wh_pad, bh_pad):
    col = lambda t: (t, 0)
    fixed = lambda t: (0, 0)
    return pl.pallas_call(
        _kf_body,
        grid=(NT,),
        in_specs=[
            pl.BlockSpec((TT, H), col),
            pl.BlockSpec((TT, H), col),
            pl.BlockSpec((TT, H), col),
            pl.BlockSpec((TT, 1), col),
            pl.BlockSpec((TT, 1), col),
            pl.BlockSpec((TT, 1), col),
            pl.BlockSpec((TT, 1), col),
            pl.BlockSpec((H, LANES), fixed),
            pl.BlockSpec((1, LANES), fixed),
        ],
        out_specs=pl.BlockSpec((TT, LANES), col),
        out_shape=jax.ShapeDtypeStruct((T, LANES), jnp.float32),
        compiler_params=pltpu.CompilerParams(
            vmem_limit_bytes=62 * 1024 * 1024),
    )(res, ge0, ge1, w0, w1, c0, c1, Wh_pad, bh_pad)


def kernel(x, Wb, bb, Wg, W1, b1, W2, b2, Wr1, br1, Wr2, br2, Wc, bc, Wh, bh):
    bbr = bb.reshape(1, H)
    Wg_pad = jnp.pad(Wg, ((0, 0), (0, LANES - E)))
    Wc_pad = jnp.pad(Wc, ((0, 0), (0, LANES - 2)))
    bc_pad = jnp.pad(bc, (0, LANES - 2)).reshape(1, LANES)
    (h, s0, s1, g0s, g1s, w0, w1, laux, cnt, c0, c1) = _routing(
        x, Wb, bbr, Wg_pad, Wc_pad, bc_pad)

    buf = _sc_dispatch(h, s0.reshape(NW, TPW), s1.reshape(NW, TPW))

    res = _residual(h, Wr1, br1.reshape(1, F), Wr2, br2.reshape(1, H))

    eout = _expert_ffn(cnt.reshape(LANES)[:E], buf[:SLOTS], W1,
                       b1.reshape(E, 1, F), W2, b2.reshape(E, 1, H))

    ge0, ge1 = _sc_combine(eout, g0s.reshape(NW, TPW), g1s.reshape(NW, TPW))

    Wh_pad = jnp.pad(Wh, ((0, 0), (0, LANES - NCLS)))
    bh_pad = jnp.pad(bh, (0, LANES - NCLS)).reshape(1, LANES)
    out_pad = _final(res, ge0, ge1, w0, w1, c0, c1, Wh_pad, bh_pad)

    return out_pad[:, :NCLS], laux.reshape(())

# --- scband reference (transcript-rebuilt; emitter-appended) ---
"""Pipeline reference for scband-mo-emodel-24876450578757 (READ-ONLY COPY).

The authoritative reference and input builder live on the scoring server;
editing this copy changes nothing except your own understanding.
"""

import jax, jax.numpy as jnp
import numpy as np

HIDDEN = 1024
FFN = HIDDEN * 4
E = 8
K = 2
T = 2048
CAP = int(K * T / E * 1.25)
NCLS = 10


def _init(key, shape, fan_in):
    bound = 1.0 / np.sqrt(fan_in)
    return jax.random.uniform(key, shape, jnp.float32, -bound, bound)


def setup_inputs(seed: int = 0):
    key = jax.random.key(seed)
    ks = jax.random.split(key, 20)
    inp = {}
    inp["x"] = jax.random.normal(ks[0], (T, HIDDEN), dtype=jnp.float32)
    inp["Wb"] = _init(ks[1], (HIDDEN, HIDDEN), HIDDEN)
    inp["bb"] = _init(ks[2], (HIDDEN,), HIDDEN)
    inp["Wg"] = _init(ks[3], (HIDDEN, E), HIDDEN)
    inp["W1"] = _init(ks[4], (E, HIDDEN, FFN), HIDDEN)
    inp["b1"] = _init(ks[5], (E, FFN), HIDDEN)
    inp["W2"] = _init(ks[6], (E, FFN, HIDDEN), FFN)
    inp["b2"] = _init(ks[7], (E, HIDDEN), FFN)
    inp["Wr1"] = _init(ks[8], (HIDDEN, FFN), HIDDEN)
    inp["br1"] = _init(ks[9], (FFN,), HIDDEN)
    inp["Wr2"] = _init(ks[10], (FFN, HIDDEN), FFN)
    inp["br2"] = _init(ks[11], (HIDDEN,), FFN)
    inp["Wc"] = _init(ks[12], (HIDDEN, 2), HIDDEN)
    inp["bc"] = _init(ks[13], (2,), HIDDEN)
    inp["Wh"] = _init(ks[14], (HIDDEN, NCLS), HIDDEN)
    inp["bh"] = _init(ks[15], (NCLS,), HIDDEN)
    return inp


def reference(x, Wb, bb, Wg, W1, b1, W2, b2, Wr1, br1, Wr2, br2, Wc, bc, Wh, bh):
    # backbone: Linear + ReLU
    h = jax.nn.relu(x @ Wb + bb)
    # top-k gating (deepspeed-style) with load-balancing aux loss
    logits_g = h @ Wg
    probs = jax.nn.softmax(logits_g, axis=-1)
    topw, topi = jax.lax.top_k(probs, K)
    topw = topw / jnp.sum(topw, axis=-1, keepdims=True)
    me = jnp.mean(probs, axis=0)
    ce = jnp.mean(jax.nn.one_hot(topi[:, 0], E, dtype=jnp.float32), axis=0)
    l_aux = E * jnp.sum(me * ce)
    # dispatch with capacity (scatter into [E, CAP, d] expert buffers)
    flat_exp = topi.reshape(-1)
    flat_w = topw.reshape(-1)
    tok_idx = jnp.arange(T * K) // K
    onehot = jax.nn.one_hot(flat_exp, E, dtype=jnp.int32)
    loc = jnp.take_along_axis(jnp.cumsum(onehot, axis=0) - 1, flat_exp[:, None], axis=1)[:, 0]
    valid = loc < CAP
    loc_c = jnp.clip(loc, 0, CAP - 1)
    vals = jnp.where(valid[:, None], h[tok_idx], 0.0)
    buf = jnp.zeros((E, CAP, HIDDEN), dtype=jnp.float32).at[flat_exp, loc_c].add(vals)
    # expert FFN: Linear(d,4d)+ReLU+Linear(4d,d) per expert
    hmid = jax.nn.relu(jnp.einsum('ecd,edf->ecf', buf, W1) + b1[:, None, :])
    eout = jnp.einsum('ecf,efd->ecd', hmid, W2) + b2[:, None, :]
    # gather back and combine with gate weights
    gathered = eout[flat_exp, loc_c]
    gathered = jnp.where(valid[:, None], gathered, 0.0) * flat_w[:, None]
    moe_out = jnp.zeros((T, HIDDEN), dtype=jnp.float32).at[tok_idx].add(gathered)
    # residual MoE: shared residual expert + learned coefficient mix
    res = jax.nn.relu(h @ Wr1 + br1) @ Wr2 + br2
    coef = jax.nn.softmax(h @ Wc + bc, axis=-1)
    combined = moe_out * coef[:, 0:1] + res * coef[:, 1:2]
    # classification head
    out_logits = combined @ Wh + bh
    return out_logits, l_aux

if __name__ == "__main__":
    import jax
    _d = setup_inputs()
    print(jax.jit(kernel)(*tuple(_d.values())))

</pallas_src>

<mosaic_0001>
#map = affine_map<(d0, d1) -> (0, 0)>
module attributes {stable_mosaic.version = 14 : i64} {
  func.func @run(%arg0: i32, %arg1: i32, %arg2: memref<2048x1024xf32, #tpu.memory_space<hbm>>, %arg3: memref<32x64xi32, #tpu.memory_space<hbm>>, %arg4: memref<32x64xi32, #tpu.memory_space<hbm>>, %arg5: memref<5128x1024xf32, #tpu.memory_space<hbm>>, %arg6: memref<64xi32, #tpu.memory_space<vmem>>, %arg7: memref<64xi32, #tpu.memory_space<vmem>>, %arg8: memref<64x1024xf32, #tpu.memory_space<vmem>>, %arg9: memref<!tpu.dma_semaphore, #tpu.memory_space<semaphore_mem>>) attributes {dimension_semantics = [#tpu.dimension_semantics<core_parallel>, #tpu.dimension_semantics<subcore_parallel>], iteration_bounds = array<i64: 2, 16>, scalar_prefetch = 0 : i64, scratch_operands = 4 : i64, tpu.core_type = #tpu.core_type<sc_vector_subcore>, window_params = [{transform_indices = #map}, {transform_indices = #map}, {transform_indices = #map}, {transform_indices = #map}]} {
    %mul3A = arith.constant 2 : i32
    %mul3A_0 = arith.muli %arg1, %mul3A : i32
    %add3A = arith.addi %mul3A_0, %arg0 : i32
    %mul3A_1 = arith.constant 64 : i32
    %mul3A_2 = arith.muli %add3A, %mul3A_1 : i32
    "tpu.region"() ({
      %run_scoped3A = tpu.sem_alloc : memref<!tpu.dma_semaphore, #tpu.memory_space<semaphore_mem>>
      %dma_start3A_13 = arith.constant 0 : i32
      %dma_start3A_14 = tpu.memref_slice %arg3[%add3A, %dma_start3A_13] : memref<32x64xi32, #tpu.memory_space<hbm>> -> memref<1x64xi32, #tpu.memory_space<hbm>>
      %dma_start3A_15 = tpu.memref_squeeze %dma_start3A_14 : memref<1x64xi32, #tpu.memory_space<hbm>> -> memref<64xi32, #tpu.memory_space<hbm>>
      %dma_start3A_16 = arith.constant 0 : i32
      %dma_start3A_17 = tpu.memref_slice %arg3[%add3A, %dma_start3A_16] : memref<32x64xi32, #tpu.memory_space<hbm>> -> memref<1x64xi32, #tpu.memory_space<hbm>>
      %dma_start3A_18 = tpu.memref_squeeze %dma_start3A_17 : memref<1x64xi32, #tpu.memory_space<hbm>> -> memref<64xi32, #tpu.memory_space<hbm>>
      tpu.enqueue_dma source(%dma_start3A_18 : memref<64xi32, #tpu.memory_space<hbm>>) target(%arg6 : memref<64xi32, #tpu.memory_space<vmem>>) target_semaphore(%run_scoped3A : memref<!tpu.dma_semaphore, #tpu.memory_space<semaphore_mem>>)
      %dma_wait3A_19 = arith.constant 0 : i32
      %dma_wait3A_20 = tpu.memref_slice %arg3[%add3A, %dma_wait3A_19] : memref<32x64xi32, #tpu.memory_space<hbm>> -> memref<1x64xi32, #tpu.memory_space<hbm>>
      %dma_wait3A_21 = tpu.memref_squeeze %dma_wait3A_20 : memref<1x64xi32, #tpu.memory_space<hbm>> -> memref<64xi32, #tpu.memory_space<hbm>>
      %dma_wait3A_22 = arith.constant 0 : i32
      %dma_wait3A_23 = tpu.memref_slice %arg3[%add3A, %dma_wait3A_22] : memref<32x64xi32, #tpu.memory_space<hbm>> -> memref<1x64xi32, #tpu.memory_space<hbm>>
      %dma_wait3A_24 = tpu.memref_squeeze %dma_wait3A_23 : memref<1x64xi32, #tpu.memory_space<hbm>> -> memref<64xi32, #tpu.memory_space<hbm>>
      tpu.wait_dma2 semaphore(%run_scoped3A : memref<!tpu.dma_semaphore, #tpu.memory_space<semaphore_mem>>) src(%dma_wait3A_24 : memref<64xi32, #tpu.memory_space<hbm>>) dst(%arg6 : memref<64xi32, #tpu.memory_space<vmem>>)
      tpu.yield
    }) : () -> ()
    "tpu.region"() ({
      %run_scoped3A = tpu.sem_alloc : memref<!tpu.dma_semaphore, #tpu.memory_space<semaphore_mem>>
      %dma_start3A_13 = arith.constant 0 : i32
      %dma_start3A_14 = tpu.memref_slice %arg4[%add3A, %dma_start3A_13] : memref<32x64xi32, #tpu.memory_space<hbm>> -> memref<1x64xi32, #tpu.memory_space<hbm>>
      %dma_start3A_15 = tpu.memref_squeeze %dma_start3A_14 : memref<1x64xi32, #tpu.memory_space<hbm>> -> memref<64xi32, #tpu.memory_space<hbm>>
      %dma_start3A_16 = arith.constant 0 : i32
      %dma_start3A_17 = tpu.memref_slice %arg4[%add3A, %dma_start3A_16] : memref<32x64xi32, #tpu.memory_space<hbm>> -> memref<1x64xi32, #tpu.memory_space<hbm>>
      %dma_start3A_18 = tpu.memref_squeeze %dma_start3A_17 : memref<1x64xi32, #tpu.memory_space<hbm>> -> memref<64xi32, #tpu.memory_space<hbm>>
      tpu.enqueue_dma source(%dma_start3A_18 : memref<64xi32, #tpu.memory_space<hbm>>) target(%arg7 : memref<64xi32, #tpu.memory_space<vmem>>) target_semaphore(%run_scoped3A : memref<!tpu.dma_semaphore, #tpu.memory_space<semaphore_mem>>)
      %dma_wait3A_19 = arith.constant 0 : i32
      %dma_wait3A_20 = tpu.memref_slice %arg4[%add3A, %dma_wait3A_19] : memref<32x64xi32, #tpu.memory_space<hbm>> -> memref<1x64xi32, #tpu.memory_space<hbm>>
      %dma_wait3A_21 = tpu.memref_squeeze %dma_wait3A_20 : memref<1x64xi32, #tpu.memory_space<hbm>> -> memref<64xi32, #tpu.memory_space<hbm>>
      %dma_wait3A_22 = arith.constant 0 : i32
      %dma_wait3A_23 = tpu.memref_slice %arg4[%add3A, %dma_wait3A_22] : memref<32x64xi32, #tpu.memory_space<hbm>> -> memref<1x64xi32, #tpu.memory_space<hbm>>
      %dma_wait3A_24 = tpu.memref_squeeze %dma_wait3A_23 : memref<1x64xi32, #tpu.memory_space<hbm>> -> memref<64xi32, #tpu.memory_space<hbm>>
      tpu.wait_dma2 semaphore(%run_scoped3A : memref<!tpu.dma_semaphore, #tpu.memory_space<semaphore_mem>>) src(%dma_wait3A_24 : memref<64xi32, #tpu.memory_space<hbm>>) dst(%arg7 : memref<64xi32, #tpu.memory_space<vmem>>)
      tpu.yield
    }) : () -> ()
    "tpu.region"() ({
      %run_scoped3A = tpu.sem_alloc : memref<!tpu.dma_semaphore, #tpu.memory_space<semaphore_mem>>
      %dma_start3A_13 = arith.constant 0 : i32
      %dma_start3A_14 = tpu.memref_slice %arg2[%mul3A_2, %dma_start3A_13] : memref<2048x1024xf32, #tpu.memory_space<hbm>> -> memref<64x1024xf32, #tpu.memory_space<hbm>>
      %dma_start3A_15 = arith.constant 0 : i32
      %dma_start3A_16 = tpu.memref_slice %arg2[%mul3A_2, %dma_start3A_15] : memref<2048x1024xf32, #tpu.memory_space<hbm>> -> memref<64x1024xf32, #tpu.memory_space<hbm>>
      tpu.enqueue_dma source(%dma_start3A_16 : memref<64x1024xf32, #tpu.memory_space<hbm>>) target(%arg8 : memref<64x1024xf32, #tpu.memory_space<vmem>>) target_semaphore(%run_scoped3A : memref<!tpu.dma_semaphore, #tpu.memory_space<semaphore_mem>>)
      %dma_wait3A_17 = arith.constant 0 : i32
      %dma_wait3A_18 = tpu.memref_slice %arg2[%mul3A_2, %dma_wait3A_17] : memref<2048x1024xf32, #tpu.memory_space<hbm>> -> memref<64x1024xf32, #tpu.memory_space<hbm>>
      %dma_wait3A_19 = arith.constant 0 : i32
      %dma_wait3A_20 = tpu.memref_slice %arg2[%mul3A_2, %dma_wait3A_19] : memref<2048x1024xf32, #tpu.memory_space<hbm>> -> memref<64x1024xf32, #tpu.memory_space<hbm>>
      tpu.wait_dma2 semaphore(%run_scoped3A : memref<!tpu.dma_semaphore, #tpu.memory_space<semaphore_mem>>) src(%dma_wait3A_20 : memref<64x1024xf32, #tpu.memory_space<hbm>>) dst(%arg8 : memref<64x1024xf32, #tpu.memory_space<vmem>>)
      tpu.yield
    }) : () -> ()
    %dma_start3A = arith.constant 0 : i32
    %dma_start3A_3 = arith.constant 0 : i32
    %dma_start3A_4 = tpu.memref_slice %arg5[%dma_start3A, %dma_start3A_3] : memref<5128x1024xf32, #tpu.memory_space<hbm>> -> memref<5128x1024xf32, #tpu.memory_space<hbm>>
    tpu.enqueue_indirect_dma source(%arg8 : memref<64x1024xf32, #tpu.memory_space<vmem>>) target(%dma_start3A_4 : memref<5128x1024xf32, #tpu.memory_space<hbm>>) offsets(%arg6 : memref<64xi32, #tpu.memory_space<vmem>>) semaphore(%arg9 : memref<!tpu.dma_semaphore, #tpu.memory_space<semaphore_mem>>)
    %dma_wait3A = arith.constant 0 : i32
    %dma_wait3A_5 = arith.constant 0 : i32
    %dma_wait3A_6 = tpu.memref_slice %arg5[%dma_wait3A, %dma_wait3A_5] : memref<5128x1024xf32, #tpu.memory_space<hbm>> -> memref<5128x1024xf32, #tpu.memory_space<hbm>>
    tpu.wait_indirect_dma semaphore(%arg9 : memref<!tpu.dma_semaphore, #tpu.memory_space<semaphore_mem>>) src(%arg8 : memref<64x1024xf32, #tpu.memory_space<vmem>>) dst(%dma_wait3A_6 : memref<5128x1024xf32, #tpu.memory_space<hbm>>)
    %dma_start3A_7 = arith.constant 0 : i32
    %dma_start3A_8 = arith.constant 0 : i32
    %dma_start3A_9 = tpu.memref_slice %arg5[%dma_start3A_7, %dma_start3A_8] : memref<5128x1024xf32, #tpu.memory_space<hbm>> -> memref<5128x1024xf32, #tpu.memory_space<hbm>>
    tpu.enqueue_indirect_dma source(%arg8 : memref<64x1024xf32, #tpu.memory_space<vmem>>) target(%dma_start3A_9 : memref<5128x1024xf32, #tpu.memory_space<hbm>>) offsets(%arg7 : memref<64xi32, #tpu.memory_space<vmem>>) semaphore(%arg9 : memref<!tpu.dma_semaphore, #tpu.memory_space<semaphore_mem>>)
    %dma_wait3A_10 = arith.constant 0 : i32
    %dma_wait3A_11 = arith.constant 0 : i32
    %dma_wait3A_12 = tpu.memref_slice %arg5[%dma_wait3A_10, %dma_wait3A_11] : memref<5128x1024xf32, #tpu.memory_space<hbm>> -> memref<5128x1024xf32, #tpu.memory_space<hbm>>
    tpu.wait_indirect_dma semaphore(%arg9 : memref<!tpu.dma_semaphore, #tpu.memory_space<semaphore_mem>>) src(%arg8 : memref<64x1024xf32, #tpu.memory_space<vmem>>) dst(%dma_wait3A_12 : memref<5128x1024xf32, #tpu.memory_space<hbm>>)
    return
  }
}

#map = affine_map<(d0, d1) -> (0, 0)>
module attributes {stable_mosaic.version = 14 : i64} {
  func.func @run(%arg0: i32, %arg1: i32, %arg2: memref<5120x1024xf32, #tpu.memory_space<hbm>>, %arg3: memref<32x64xi32, #tpu.memory_space<hbm>>, %arg4: memref<32x64xi32, #tpu.memory_space<hbm>>, %arg5: memref<2048x1024xf32, #tpu.memory_space<hbm>>, %arg6: memref<2048x1024xf32, #tpu.memory_space<hbm>>, %arg7: memref<64xi32, #tpu.memory_space<vmem>>, %arg8: memref<64x1024xf32, #tpu.memory_space<vmem>>, %arg9: memref<!tpu.dma_semaphore, #tpu.memory_space<semaphore_mem>>) attributes {dimension_semantics = [#tpu.dimension_semantics<core_parallel>, #tpu.dimension_semantics<subcore_parallel>], iteration_bounds = array<i64: 2, 16>, scalar_prefetch = 0 : i64, scratch_operands = 3 : i64, tpu.core_type = #tpu.core_type<sc_vector_subcore>, window_params = [{transform_indices = #map}, {transform_indices = #map}, {transform_indices = #map}, {transform_indices = #map}, {transform_indices = #map}]} {
    %mul3A = arith.constant 2 : i32
    %mul3A_0 = arith.muli %arg1, %mul3A : i32
    %add3A = arith.addi %mul3A_0, %arg0 : i32
    %mul3A_1 = arith.constant 64 : i32
    %mul3A_2 = arith.muli %add3A, %mul3A_1 : i32
    "tpu.region"() ({
      %run_scoped3A = tpu.sem_alloc : memref<!tpu.dma_semaphore, #tpu.memory_space<semaphore_mem>>
      %dma_start3A_13 = arith.constant 0 : i32
      %dma_start3A_14 = tpu.memref_slice %arg3[%add3A, %dma_start3A_13] : memref<32x64xi32, #tpu.memory_space<hbm>> -> memref<1x64xi32, #tpu.memory_space<hbm>>
      %dma_start3A_15 = tpu.memref_squeeze %dma_start3A_14 : memref<1x64xi32, #tpu.memory_space<hbm>> -> memref<64xi32, #tpu.memory_space<hbm>>
      %dma_start3A_16 = arith.constant 0 : i32
      %dma_start3A_17 = tpu.memref_slice %arg3[%add3A, %dma_start3A_16] : memref<32x64xi32, #tpu.memory_space<hbm>> -> memref<1x64xi32, #tpu.memory_space<hbm>>
      %dma_start3A_18 = tpu.memref_squeeze %dma_start3A_17 : memref<1x64xi32, #tpu.memory_space<hbm>> -> memref<64xi32, #tpu.memory_space<hbm>>
      tpu.enqueue_dma source(%dma_start3A_18 : memref<64xi32, #tpu.memory_space<hbm>>) target(%arg7 : memref<64xi32, #tpu.memory_space<vmem>>) target_semaphore(%run_scoped3A : memref<!tpu.dma_semaphore, #tpu.memory_space<semaphore_mem>>)
      %dma_wait3A_19 = arith.constant 0 : i32
      %dma_wait3A_20 = tpu.memref_slice %arg3[%add3A, %dma_wait3A_19] : memref<32x64xi32, #tpu.memory_space<hbm>> -> memref<1x64xi32, #tpu.memory_space<hbm>>
      %dma_wait3A_21 = tpu.memref_squeeze %dma_wait3A_20 : memref<1x64xi32, #tpu.memory_space<hbm>> -> memref<64xi32, #tpu.memory_space<hbm>>
      %dma_wait3A_22 = arith.constant 0 : i32
      %dma_wait3A_23 = tpu.memref_slice %arg3[%add3A, %dma_wait3A_22] : memref<32x64xi32, #tpu.memory_space<hbm>> -> memref<1x64xi32, #tpu.memory_space<hbm>>
      %dma_wait3A_24 = tpu.memref_squeeze %dma_wait3A_23 : memref<1x64xi32, #tpu.memory_space<hbm>> -> memref<64xi32, #tpu.memory_space<hbm>>
      tpu.wait_dma2 semaphore(%run_scoped3A : memref<!tpu.dma_semaphore, #tpu.memory_space<semaphore_mem>>) src(%dma_wait3A_24 : memref<64xi32, #tpu.memory_space<hbm>>) dst(%arg7 : memref<64xi32, #tpu.memory_space<vmem>>)
      tpu.yield
    }) : () -> ()
    %dma_start3A = arith.constant 0 : i32
    %dma_start3A_3 = arith.constant 0 : i32
    %dma_start3A_4 = tpu.memref_slice %arg2[%dma_start3A, %dma_start3A_3] : memref<5120x1024xf32, #tpu.memory_space<hbm>> -> memref<5120x1024xf32, #tpu.memory_space<hbm>>
    tpu.enqueue_indirect_dma source(%dma_start3A_4 : memref<5120x1024xf32, #tpu.memory_space<hbm>>) target(%arg8 : memref<64x1024xf32, #tpu.memory_space<vmem>>) offsets(%arg7 : memref<64xi32, #tpu.memory_space<vmem>>) semaphore(%arg9 : memref<!tpu.dma_semaphore, #tpu.memory_space<semaphore_mem>>)
    %dma_wait3A = arith.constant 0 : i32
    %dma_wait3A_5 = arith.constant 0 : i32
    %dma_wait3A_6 = tpu.memref_slice %arg2[%dma_wait3A, %dma_wait3A_5] : memref<5120x1024xf32, #tpu.memory_space<hbm>> -> memref<5120x1024xf32, #tpu.memory_space<hbm>>
    tpu.wait_indirect_dma semaphore(%arg9 : memref<!tpu.dma_semaphore, #tpu.memory_space<semaphore_mem>>) src(%dma_wait3A_6 : memref<5120x1024xf32, #tpu.memory_space<hbm>>) dst(%arg8 : memref<64x1024xf32, #tpu.memory_space<vmem>>)
    "tpu.region"() ({
      %run_scoped3A = tpu.sem_alloc : memref<!tpu.dma_semaphore, #tpu.memory_space<semaphore_mem>>
      %dma_start3A_13 = arith.constant 0 : i32
      %dma_start3A_14 = tpu.memref_slice %arg5[%mul3A_2, %dma_start3A_13] : memref<2048x1024xf32, #tpu.memory_space<hbm>> -> memref<64x1024xf32, #tpu.memory_space<hbm>>
      %dma_start3A_15 = arith.constant 0 : i32
      %dma_start3A_16 = tpu.memref_slice %arg5[%mul3A_2, %dma_start3A_15] : memref<2048x1024xf32, #tpu.memory_space<hbm>> -> memref<64x1024xf32, #tpu.memory_space<hbm>>
      tpu.enqueue_dma source(%arg8 : memref<64x1024xf32, #tpu.memory_space<vmem>>) target(%dma_start3A_16 : memref<64x1024xf32, #tpu.memory_space<hbm>>) target_semaphore(%run_scoped3A : memref<!tpu.dma_semaphore, #tpu.memory_space<semaphore_mem>>)
      %dma_wait3A_17 = arith.constant 0 : i32
      %dma_wait3A_18 = tpu.memref_slice %arg5[%mul3A_2, %dma_wait3A_17] : memref<2048x1024xf32, #tpu.memory_space<hbm>> -> memref<64x1024xf32, #tpu.memory_space<hbm>>
      %dma_wait3A_19 = arith.constant 0 : i32
      %dma_wait3A_20 = tpu.memref_slice %arg5[%mul3A_2, %dma_wait3A_19] : memref<2048x1024xf32, #tpu.memory_space<hbm>> -> memref<64x1024xf32, #tpu.memory_space<hbm>>
      tpu.wait_dma2 semaphore(%run_scoped3A : memref<!tpu.dma_semaphore, #tpu.memory_space<semaphore_mem>>) src(%arg8 : memref<64x1024xf32, #tpu.memory_space<vmem>>) dst(%dma_wait3A_20 : memref<64x1024xf32, #tpu.memory_space<hbm>>)
      tpu.yield
    }) : () -> ()
    "tpu.region"() ({
      %run_scoped3A = tpu.sem_alloc : memref<!tpu.dma_semaphore, #tpu.memory_space<semaphore_mem>>
      %dma_start3A_13 = arith.constant 0 : i32
      %dma_start3A_14 = tpu.memref_slice %arg4[%add3A, %dma_start3A_13] : memref<32x64xi32, #tpu.memory_space<hbm>> -> memref<1x64xi32, #tpu.memory_space<hbm>>
      %dma_start3A_15 = tpu.memref_squeeze %dma_start3A_14 : memref<1x64xi32, #tpu.memory_space<hbm>> -> memref<64xi32, #tpu.memory_space<hbm>>
      %dma_start3A_16 = arith.constant 0 : i32
      %dma_start3A_17 = tpu.memref_slice %arg4[%add3A, %dma_start3A_16] : memref<32x64xi32, #tpu.memory_space<hbm>> -> memref<1x64xi32, #tpu.memory_space<hbm>>
      %dma_start3A_18 = tpu.memref_squeeze %dma_start3A_17 : memref<1x64xi32, #tpu.memory_space<hbm>> -> memref<64xi32, #tpu.memory_space<hbm>>
      tpu.enqueue_dma source(%dma_start3A_18 : memref<64xi32, #tpu.memory_space<hbm>>) target(%arg7 : memref<64xi32, #tpu.memory_space<vmem>>) target_semaphore(%run_scoped3A : memref<!tpu.dma_semaphore, #tpu.memory_space<semaphore_mem>>)
      %dma_wait3A_19 = arith.constant 0 : i32
      %dma_wait3A_20 = tpu.memref_slice %arg4[%add3A, %dma_wait3A_19] : memref<32x64xi32, #tpu.memory_space<hbm>> -> memref<1x64xi32, #tpu.memory_space<hbm>>
      %dma_wait3A_21 = tpu.memref_squeeze %dma_wait3A_20 : memref<1x64xi32, #tpu.memory_space<hbm>> -> memref<64xi32, #tpu.memory_space<hbm>>
      %dma_wait3A_22 = arith.constant 0 : i32
      %dma_wait3A_23 = tpu.memref_slice %arg4[%add3A, %dma_wait3A_22] : memref<32x64xi32, #tpu.memory_space<hbm>> -> memref<1x64xi32, #tpu.memory_space<hbm>>
      %dma_wait3A_24 = tpu.memref_squeeze %dma_wait3A_23 : memref<1x64xi32, #tpu.memory_space<hbm>> -> memref<64xi32, #tpu.memory_space<hbm>>
      tpu.wait_dma2 semaphore(%run_scoped3A : memref<!tpu.dma_semaphore, #tpu.memory_space<semaphore_mem>>) src(%dma_wait3A_24 : memref<64xi32, #tpu.memory_space<hbm>>) dst(%arg7 : memref<64xi32, #tpu.memory_space<vmem>>)
      tpu.yield
    }) : () -> ()
    %dma_start3A_7 = arith.constant 0 : i32
    %dma_start3A_8 = arith.constant 0 : i32
    %dma_start3A_9 = tpu.memref_slice %arg2[%dma_start3A_7, %dma_start3A_8] : memref<5120x1024xf32, #tpu.memory_space<hbm>> -> memref<5120x1024xf32, #tpu.memory_space<hbm>>
    tpu.enqueue_indirect_dma source(%dma_start3A_9 : memref<5120x1024xf32, #tpu.memory_space<hbm>>) target(%arg8 : memref<64x1024xf32, #tpu.memory_space<vmem>>) offsets(%arg7 : memref<64xi32, #tpu.memory_space<vmem>>) semaphore(%arg9 : memref<!tpu.dma_semaphore, #tpu.memory_space<semaphore_mem>>)
    %dma_wait3A_10 = arith.constant 0 : i32
    %dma_wait3A_11 = arith.constant 0 : i32
    %dma_wait3A_12 = tpu.memref_slice %arg2[%dma_wait3A_10, %dma_wait3A_11] : memref<5120x1024xf32, #tpu.memory_space<hbm>> -> memref<5120x1024xf32, #tpu.memory_space<hbm>>
    tpu.wait_indirect_dma semaphore(%arg9 : memref<!tpu.dma_semaphore, #tpu.memory_space<semaphore_mem>>) src(%dma_wait3A_12 : memref<5120x1024xf32, #tpu.memory_space<hbm>>) dst(%arg8 : memref<64x1024xf32, #tpu.memory_space<vmem>>)
    "tpu.region"() ({
      %run_scoped3A = tpu.sem_alloc : memref<!tpu.dma_semaphore, #tpu.memory_space<semaphore_mem>>
      %dma_start3A_13 = arith.constant 0 : i32
      %dma_start3A_14 = tpu.memref_slice %arg6[%mul3A_2, %dma_start3A_13] : memref<2048x1024xf32, #tpu.memory_space<hbm>> -> memref<64x1024xf32, #tpu.memory_space<hbm>>
      %dma_start3A_15 = arith.constant 0 : i32
      %dma_start3A_16 = tpu.memref_slice %arg6[%mul3A_2, %dma_start3A_15] : memref<2048x1024xf32, #tpu.memory_space<hbm>> -> memref<64x1024xf32, #tpu.memory_space<hbm>>
      tpu.enqueue_dma source(%arg8 : memref<64x1024xf32, #tpu.memory_space<vmem>>) target(%dma_start3A_16 : memref<64x1024xf32, #tpu.memory_space<hbm>>) target_semaphore(%run_scoped3A : memref<!tpu.dma_semaphore, #tpu.memory_space<semaphore_mem>>)
      %dma_wait3A_17 = arith.constant 0 : i32
      %dma_wait3A_18 = tpu.memref_slice %arg6[%mul3A_2, %dma_wait3A_17] : memref<2048x1024xf32, #tpu.memory_space<hbm>> -> memref<64x1024xf32, #tpu.memory_space<hbm>>
      %dma_wait3A_19 = arith.constant 0 : i32
      %dma_wait3A_20 = tpu.memref_slice %arg6[%mul3A_2, %dma_wait3A_19] : memref<2048x1024xf32, #tpu.memory_space<hbm>> -> memref<64x1024xf32, #tpu.memory_space<hbm>>
      tpu.wait_dma2 semaphore(%run_scoped3A : memref<!tpu.dma_semaphore, #tpu.memory_space<semaphore_mem>>) src(%arg8 : memref<64x1024xf32, #tpu.memory_space<vmem>>) dst(%dma_wait3A_20 : memref<64x1024xf32, #tpu.memory_space<hbm>>)
      tpu.yield
    }) : () -> ()
    return
  }
}

module attributes {stable_mosaic.version = 14 : i64} {
  func.func @_ka_body(%arg0: i32, %arg1: memref<256x1024xf32, #tpu.memory_space<vmem>>, %arg2: memref<1024x1024xf32, #tpu.memory_space<vmem>>, %arg3: memref<1x1024xf32, #tpu.memory_space<vmem>>, %arg4: memref<1024x128xf32, #tpu.memory_space<vmem>>, %arg5: memref<1024x128xf32, #tpu.memory_space<vmem>>, %arg6: memref<1x128xf32, #tpu.memory_space<vmem>>, %arg7: memref<256x1024xf32, #tpu.memory_space<vmem>>, %arg8: memref<256x1xi32, #tpu.memory_space<vmem>>, %arg9: memref<256x1xi32, #tpu.memory_space<vmem>>, %arg10: memref<256x1xi32, #tpu.memory_space<vmem>>, %arg11: memref<256x1xi32, #tpu.memory_space<vmem>>, %arg12: memref<256x1xf32, #tpu.memory_space<vmem>>, %arg13: memref<256x1xf32, #tpu.memory_space<vmem>>, %arg14: memref<1x1xf32, #tpu.memory_space<vmem>>, %arg15: memref<1x128xi32, #tpu.memory_space<vmem>>, %arg16: memref<256x1xf32, #tpu.memory_space<vmem>>, %arg17: memref<256x1xf32, #tpu.memory_space<vmem>>, %arg18: memref<1x128xf32, #tpu.memory_space<vmem>>, %arg19: memref<1x128xf32, #tpu.memory_space<vmem>>, %arg20: memref<1x128xf32, #tpu.memory_space<vmem>>) attributes {dimension_semantics = [#tpu.dimension_semantics<arbitrary>], iteration_bounds = array<i64: 8>, scalar_prefetch = 0 : i64, scratch_operands = 3 : i64, tpu.core_type = #tpu.core_type<tc>, window_params = [{transform_indices = @transform_0, window_bounds = array<i64: 256, 1024>}, {pipeline_mode = #tpu.pipeline_mode<synchronous>, transform_indices = @transform_1, window_bounds = array<i64: 1024, 1024>}, {pipeline_mode = #tpu.pipeline_mode<synchronous>, transform_indices = @transform_2, window_bounds = array<i64: 1, 1024>}, {pipeline_mode = #tpu.pipeline_mode<synchronous>, transform_indices = @transform_3, window_bounds = array<i64: 1024, 128>}, {pipeline_mode = #tpu.pipeline_mode<synchronous>, transform_indices = @transform_4, window_bounds = array<i64: 1024, 128>}, {pipeline_mode = #tpu.pipeline_mode<synchronous>, transform_indices = @transform_5, window_bounds = array<i64: 1, 128>}, {transform_indices = @transform_6, window_bounds = array<i64: 256, 1024>}, {transform_indices = @transform_7, window_bounds = array<i64: 256, 1>}, {transform_indices = @transform_8, window_bounds = array<i64: 256, 1>}, {transform_indices = @transform_9, window_bounds = array<i64: 256, 1>}, {transform_indices = @transform_10, window_bounds = array<i64: 256, 1>}, {transform_indices = @transform_11, window_bounds = array<i64: 256, 1>}, {transform_indices = @transform_12, window_bounds = array<i64: 256, 1>}, {pipeline_mode = #tpu.pipeline_mode<synchronous>, transform_indices = @transform_13, window_bounds = array<i64: 1, 1>}, {pipeline_mode = #tpu.pipeline_mode<synchronous>, transform_indices = @transform_14, window_bounds = array<i64: 1, 128>}, {transform_indices = @transform_15, window_bounds = array<i64: 256, 1>}, {transform_indices = @transform_16, window_bounds = array<i64: 256, 1>}]} {
    %eq3A = arith.constant 0 : i32
    %eq3A_0 = arith.cmpi eq, %arg0, %eq3A : i32
    %convert_element_type3A = arith.extui %eq3A_0 : i1 to i32
    %cond3A = arith.constant 0 : i32
    %cond3A_1 = arith.cmpi ne, %convert_element_type3A, %cond3A : i32
    scf.if %cond3A_1 {
      %broadcast_in_dim3A_230 = arith.constant 0.000000e+00 : f32
      %broadcast_in_dim3A_231 = vector.broadcast %broadcast_in_dim3A_230 : f32 to vector<1x128xf32>
      %swap3A_232 = arith.constant 0 : index
      %swap3A_233 = arith.constant 0 : index
      %swap3A_234 = vector.load %arg18[%swap3A_232, %swap3A_233] : memref<1x128xf32, #tpu.memory_space<vmem>>, vector<1x128xf32>
      tpu.vector_store %arg18[%swap3A_232, %swap3A_233], %broadcast_in_dim3A_231 {strides = array<i32>} : memref<1x128xf32, #tpu.memory_space<vmem>>, vector<1x128xf32>,
      %broadcast_in_dim3A_235 = arith.constant 0.000000e+00 : f32
      %broadcast_in_dim3A_236 = vector.broadcast %broadcast_in_dim3A_235 : f32 to vector<1x128xf32>
      %swap3A_237 = arith.constant 0 : index
      %swap3A_238 = arith.constant 0 : index
      %swap3A_239 = vector.load %arg19[%swap3A_237, %swap3A_238] : memref<1x128xf32, #tpu.memory_space<vmem>>, vector<1x128xf32>
      tpu.vector_store %arg19[%swap3A_237, %swap3A_238], %broadcast_in_dim3A_236 {strides = array<i32>} : memref<1x128xf32, #tpu.memory_space<vmem>>, vector<1x128xf32>,
      %broadcast_in_dim3A_240 = arith.constant 0.000000e+00 : f32
      %broadcast_in_dim3A_241 = vector.broadcast %broadcast_in_dim3A_240 : f32 to vector<1x128xf32>
      %swap3A_242 = arith.constant 0 : index
      %swap3A_243 = arith.constant 0 : index
      %swap3A_244 = vector.load %arg20[%swap3A_242, %swap3A_243] : memref<1x128xf32, #tpu.memory_space<vmem>>, vector<1x128xf32>
      tpu.vector_store %arg20[%swap3A_242, %swap3A_243], %broadcast_in_dim3A_241 {strides = array<i32>} : memref<1x128xf32, #tpu.memory_space<vmem>>, vector<1x128xf32>,
    } else {
    }
    %get3A = arith.constant 0 : index
    %get3A_2 = arith.constant 0 : index
    %get3A_3 = vector.load %arg1[%get3A, %get3A_2] : memref<256x1024xf32, #tpu.memory_space<vmem>>, vector<256x1024xf32>
    %get3A_4 = arith.constant 0 : index
    %get3A_5 = arith.constant 0 : index
    %get3A_6 = vector.load %arg2[%get3A_4, %get3A_5] : memref<1024x1024xf32, #tpu.memory_space<vmem>>, vector<1024x1024xf32>
    %dot_general3A = arith.constant dense<0.000000e+00> : vector<256x1024xf32>
    %dot_general3A_7 = tpu.matmul %get3A_3, %get3A_6, %dot_general3A {dimension_numbers = #tpu.dot_dimension_numbers<[1], [0], [0], [1], [0, 0, 1, 1], [], []>, transpose_lhs_hint = false} : vector<256x1024xf32>, vector<1024x1024xf32>, vector<256x1024xf32> -> vector<256x1024xf32>
    %get3A_8 = arith.constant 0 : index
    %get3A_9 = arith.constant 0 : index
    %get3A_10 = vector.load %arg3[%get3A_8, %get3A_9] : memref<1x1024xf32, #tpu.memory_space<vmem>>, vector<1x1024xf32>
    %add3A = vector.broadcast %get3A_10 : vector<1x1024xf32> to vector<256x1024xf32>
    %add3A_11 = arith.addf %dot_general3A_7, %add3A : vector<256x1024xf32>
    %max3A = arith.constant 0.000000e+00 : f32
    %max3A_12 = vector.broadcast %max3A : f32 to vector<256x1024xf32>
    %max3A_13 = arith.maximumf %add3A_11, %max3A_12 : vector<256x1024xf32>
    %swap3A = arith.constant 0 : index
    %swap3A_14 = arith.constant 0 : index
    %swap3A_15 = vector.load %arg7[%swap3A, %swap3A_14] : memref<256x1024xf32, #tpu.memory_space<vmem>>, vector<256x1024xf32>
    tpu.vector_store %arg7[%swap3A, %swap3A_14], %max3A_13 {strides = array<i32>} : memref<256x1024xf32, #tpu.memory_space<vmem>>, vector<256x1024xf32>,
    %iota3A = tpu.iota {dimensions = array<i32: 1>} : vector<256x128xi32>
    %convert_element_type3A_16 = arith.sitofp %iota3A : vector<256x128xi32> to vector<256x128xf32>
    %lt3A = arith.constant 8.000000e+00 : f32
    %lt3A_17 = vector.broadcast %lt3A : f32 to vector<256x128xf32>
    %lt3A_18 = arith.cmpf olt, %convert_element_type3A_16, %lt3A_17 : vector<256x128xf32>
    %get3A_19 = arith.constant 0 : index
    %get3A_20 = arith.constant 0 : index
    %get3A_21 = vector.load %arg4[%get3A_19, %get3A_20] : memref<1024x128xf32, #tpu.memory_space<vmem>>, vector<1024x128xf32>
    %dot_general3A_22 = arith.constant dense<0.000000e+00> : vector<256x128xf32>
    %dot_general3A_23 = tpu.matmul %max3A_13, %get3A_21, %dot_general3A_22 {dimension_numbers = #tpu.dot_dimension_numbers<[1], [0], [0], [1], [0, 0, 1, 1], [], []>, transpose_lhs_hint = false} : vector<256x1024xf32>, vector<1024x128xf32>, vector<256x128xf32> -> vector<256x128xf32>
    %jit3A = arith.constant -1.000000e+30 : f32
    %broadcast_in_dim3A = vector.broadcast %jit3A : f32 to vector<256x128xf32>
    %select_n3A = arith.select %lt3A_18, %dot_general3A_23, %broadcast_in_dim3A : vector<256x128xi1>, vector<256x128xf32>
    %reduce_max3A = arith.constant dense<0xFF800000> : vector<256xf32>
    %reduce_max3A_24 = vector.multi_reduction <maximumf>, %select_n3A, %reduce_max3A [1] : vector<256x128xf32> to vector<256xf32>
    %broadcast_in_dim3A_25 = vector.shape_cast %reduce_max3A_24 : vector<256xf32> to vector<256x1xf32>
    %sub3A = vector.broadcast %broadcast_in_dim3A_25 : vector<256x1xf32> to vector<256x128xf32>
    %sub3A_26 = arith.subf %select_n3A, %sub3A : vector<256x128xf32>
    %exp3A = math.exp %sub3A_26 : vector<256x128xf32>
    %jit3A_27 = arith.constant 0.000000e+00 : f32
    %broadcast_in_dim3A_28 = vector.broadcast %jit3A_27 : f32 to vector<256x128xf32>
    %select_n3A_29 = arith.select %lt3A_18, %exp3A, %broadcast_in_dim3A_28 : vector<256x128xi1>, vector<256x128xf32>
    %reduce_sum3A = arith.constant dense<0.000000e+00> : vector<256xf32>
    %reduce_sum3A_30 = vector.multi_reduction <add>, %select_n3A_29, %reduce_sum3A [1] : vector<256x128xf32> to vector<256xf32>
    %broadcast_in_dim3A_31 = vector.shape_cast %reduce_sum3A_30 : vector<256xf32> to vector<256x1xf32>
    %div3A = vector.broadcast %broadcast_in_dim3A_31 : vector<256x1xf32> to vector<256x128xf32>
    %div3A_32 = arith.divf %select_n3A_29, %div3A : vector<256x128xf32>
    %reduce_max3A_33 = arith.constant dense<0xFF800000> : vector<256xf32>
    %reduce_max3A_34 = vector.multi_reduction <maximumf>, %div3A_32, %reduce_max3A_33 [1] : vector<256x128xf32> to vector<256xf32>
    %broadcast_in_dim3A_35 = vector.shape_cast %reduce_max3A_34 : vector<256xf32> to vector<256x1xf32>
    %eq3A_36 = vector.broadcast %broadcast_in_dim3A_35 : vector<256x1xf32> to vector<256x128xf32>
    %eq3A_37 = arith.cmpf oeq, %div3A_32, %eq3A_36 : vector<256x128xf32>
    %jit3A_38 = arith.constant 1.000000e+09 : f32
    %broadcast_in_dim3A_39 = vector.broadcast %jit3A_38 : f32 to vector<256x128xf32>
    %select_n3A_40 = arith.select %eq3A_37, %convert_element_type3A_16, %broadcast_in_dim3A_39 : vector<256x128xi1>, vector<256x128xf32>
    %reduce_min3A = arith.constant dense<0x7F800000> : vector<256xf32>
    %reduce_min3A_41 = vector.multi_reduction <minimumf>, %select_n3A_40, %reduce_min3A [1] : vector<256x128xf32> to vector<256xf32>
    %broadcast_in_dim3A_42 = vector.shape_cast %reduce_min3A_41 : vector<256xf32> to vector<256x1xf32>
    %eq3A_43 = vector.broadcast %broadcast_in_dim3A_42 : vector<256x1xf32> to vector<256x128xf32>
    %eq3A_44 = arith.cmpf oeq, %convert_element_type3A_16, %eq3A_43 : vector<256x128xf32>
    %convert_element_type3A_45 = arith.extui %eq3A_44 : vector<256x128xi1> to vector<256x128xi32>
    %convert_element_type3A_46 = arith.sitofp %convert_element_type3A_45 : vector<256x128xi32> to vector<256x128xf32>
    %eq3A_47 = vector.broadcast %broadcast_in_dim3A_42 : vector<256x1xf32> to vector<256x128xf32>
    %eq3A_48 = arith.cmpf oeq, %convert_element_type3A_16, %eq3A_47 : vector<256x128xf32>
    %jit3A_49 = arith.constant -1.000000e+00 : f32
    %broadcast_in_dim3A_50 = vector.broadcast %jit3A_49 : f32 to vector<256x128xf32>
    %select_n3A_51 = arith.select %eq3A_48, %broadcast_in_dim3A_50, %div3A_32 : vector<256x128xi1>, vector<256x128xf32>
    %reduce_max3A_52 = arith.constant dense<0xFF800000> : vector<256xf32>
    %reduce_max3A_53 = vector.multi_reduction <maximumf>, %select_n3A_51, %reduce_max3A_52 [1] : vector<256x128xf32> to vector<256xf32>
    %broadcast_in_dim3A_54 = vector.shape_cast %reduce_max3A_53 : vector<256xf32> to vector<256x1xf32>
    %eq3A_55 = vector.broadcast %broadcast_in_dim3A_54 : vector<256x1xf32> to vector<256x128xf32>
    %eq3A_56 = arith.cmpf oeq, %select_n3A_51, %eq3A_55 : vector<256x128xf32>
    %jit3A_57 = arith.constant 1.000000e+09 : f32
    %broadcast_in_dim3A_58 = vector.broadcast %jit3A_57 : f32 to vector<256x128xf32>
    %select_n3A_59 = arith.select %eq3A_56, %convert_element_type3A_16, %broadcast_in_dim3A_58 : vector<256x128xi1>, vector<256x128xf32>
    %reduce_min3A_60 = arith.constant dense<0x7F800000> : vector<256xf32>
    %reduce_min3A_61 = vector.multi_reduction <minimumf>, %select_n3A_59, %reduce_min3A_60 [1] : vector<256x128xf32> to vector<256xf32>
    %broadcast_in_dim3A_62 = vector.shape_cast %reduce_min3A_61 : vector<256xf32> to vector<256x1xf32>
    %eq3A_63 = vector.broadcast %broadcast_in_dim3A_62 : vector<256x1xf32> to vector<256x128xf32>
    %eq3A_64 = arith.cmpf oeq, %convert_element_type3A_16, %eq3A_63 : vector<256x128xf32>
    %convert_element_type3A_65 = arith.extui %eq3A_64 : vector<256x128xi1> to vector<256x128xi32>
    %convert_element_type3A_66 = arith.sitofp %convert_element_type3A_65 : vector<256x128xi32> to vector<256x128xf32>
    %iota3A_67 = tpu.iota {dimensions = array<i32: 0>} : vector<256x256xi32>
    %iota3A_68 = tpu.iota {dimensions = array<i32: 1>} : vector<256x256xi32>
    %gt3A = arith.cmpi sgt, %iota3A_67, %iota3A_68 : vector<256x256xi32>
    %convert_element_type3A_69 = arith.extui %gt3A : vector<256x256xi1> to vector<256x256xi32>
    %convert_element_type3A_70 = arith.sitofp %convert_element_type3A_69 : vector<256x256xi32> to vector<256x256xf32>
    %add3A_71 = arith.addf %convert_element_type3A_46, %convert_element_type3A_66 : vector<256x128xf32>
    %dot_general3A_72 = arith.constant dense<0.000000e+00> : vector<256x128xf32>
    %dot_general3A_73 = tpu.matmul %convert_element_type3A_70, %add3A_71, %dot_general3A_72 {dimension_numbers = #tpu.dot_dimension_numbers<[1], [0], [0], [1], [0, 0, 1, 1], [], []>, transpose_lhs_hint = false} : vector<256x256xf32>, vector<256x128xf32>, vector<256x128xf32> -> vector<256x128xf32>
    %get3A_74 = arith.constant 0 : index
    %get3A_75 = arith.constant 0 : index
    %get3A_76 = vector.load %arg18[%get3A_74, %get3A_75] : memref<1x128xf32, #tpu.memory_space<vmem>>, vector<1x128xf32>
    %add3A_77 = vector.broadcast %get3A_76 : vector<1x128xf32> to vector<256x128xf32>
    %add3A_78 = arith.addf %dot_general3A_73, %add3A_77 : vector<256x128xf32>
    %mul3A = arith.mulf %convert_element_type3A_46, %add3A_78 : vector<256x128xf32>
    %reduce_sum3A_79 = arith.constant dense<0.000000e+00> : vector<256xf32>
    %reduce_sum3A_80 = vector.multi_reduction <add>, %mul3A, %reduce_sum3A_79 [1] : vector<256x128xf32> to vector<256xf32>
    %broadcast_in_dim3A_81 = vector.shape_cast %reduce_sum3A_80 : vector<256xf32> to vector<256x1xf32>
    %add3A_82 = vector.broadcast %get3A_76 : vector<1x128xf32> to vector<256x128xf32>
    %add3A_83 = arith.addf %dot_general3A_73, %add3A_82 : vector<256x128xf32>
    %mul3A_84 = arith.mulf %convert_element_type3A_66, %add3A_83 : vector<256x128xf32>
    %reduce_sum3A_85 = arith.constant dense<0.000000e+00> : vector<256xf32>
    %reduce_sum3A_86 = vector.multi_reduction <add>, %mul3A_84, %reduce_sum3A_85 [1] : vector<256x128xf32> to vector<256xf32>
    %broadcast_in_dim3A_87 = vector.shape_cast %reduce_sum3A_86 : vector<256xf32> to vector<256x1xf32>
    %reduce_sum3A_88 = arith.constant dense<0.000000e+00> : vector<128xf32>
    %reduce_sum3A_89 = vector.multi_reduction <add>, %add3A_71, %reduce_sum3A_88 [0] : vector<256x128xf32> to vector<128xf32>
    %broadcast_in_dim3A_90 = vector.shape_cast %reduce_sum3A_89 : vector<128xf32> to vector<1x128xf32>
    %add3A_91 = arith.addf %get3A_76, %broadcast_in_dim3A_90 : vector<1x128xf32>
    %swap3A_92 = arith.constant 0 : index
    %swap3A_93 = arith.constant 0 : index
    %swap3A_94 = vector.load %arg18[%swap3A_92, %swap3A_93] : memref<1x128xf32, #tpu.memory_space<vmem>>, vector<1x128xf32>
    tpu.vector_store %arg18[%swap3A_92, %swap3A_93], %add3A_91 {strides = array<i32>} : memref<1x128xf32, #tpu.memory_space<vmem>>, vector<1x128xf32>,
    %get3A_95 = arith.constant 0 : index
    %get3A_96 = arith.constant 0 : index
    %get3A_97 = vector.load %arg19[%get3A_95, %get3A_96] : memref<1x128xf32, #tpu.memory_space<vmem>>, vector<1x128xf32>
    %reduce_sum3A_98 = arith.constant dense<0.000000e+00> : vector<128xf32>
    %reduce_sum3A_99 = vector.multi_reduction <add>, %div3A_32, %reduce_sum3A_98 [0] : vector<256x128xf32> to vector<128xf32>
    %broadcast_in_dim3A_100 = vector.shape_cast %reduce_sum3A_99 : vector<128xf32> to vector<1x128xf32>
    %add3A_101 = arith.addf %get3A_97, %broadcast_in_dim3A_100 : vector<1x128xf32>
    %swap3A_102 = arith.constant 0 : index
    %swap3A_103 = arith.constant 0 : index
    %swap3A_104 = vector.load %arg19[%swap3A_102, %swap3A_103] : memref<1x128xf32, #tpu.memory_space<vmem>>, vector<1x128xf32>
    tpu.vector_store %arg19[%swap3A_102, %swap3A_103], %add3A_101 {strides = array<i32>} : memref<1x128xf32, #tpu.memory_space<vmem>>, vector<1x128xf32>,
    %get3A_105 = arith.constant 0 : index
    %get3A_106 = arith.constant 0 : index
    %get3A_107 = vector.load %arg20[%get3A_105, %get3A_106] : memref<1x128xf32, #tpu.memory_space<vmem>>, vector<1x128xf32>
    %reduce_sum3A_108 = arith.constant dense<0.000000e+00> : vector<128xf32>
    %reduce_sum3A_109 = vector.multi_reduction <add>, %convert_element_type3A_46, %reduce_sum3A_108 [0] : vector<256x128xf32> to vector<128xf32>
    %broadcast_in_dim3A_110 = vector.shape_cast %reduce_sum3A_109 : vector<128xf32> to vector<1x128xf32>
    %add3A_111 = arith.addf %get3A_107, %broadcast_in_dim3A_110 : vector<1x128xf32>
    %swap3A_112 = arith.constant 0 : index
    %swap3A_113 = arith.constant 0 : index
    %swap3A_114 = vector.load %arg20[%swap3A_112, %swap3A_113] : memref<1x128xf32, #tpu.memory_space<vmem>>, vector<1x128xf32>
    tpu.vector_store %arg20[%swap3A_112, %swap3A_113], %add3A_111 {strides = array<i32>} : memref<1x128xf32, #tpu.memory_space<vmem>>, vector<1x128xf32>,
    %add3A_115 = arith.addf %broadcast_in_dim3A_35, %broadcast_in_dim3A_54 : vector<256x1xf32>
    %div3A_116 = arith.divf %broadcast_in_dim3A_35, %add3A_115 : vector<256x1xf32>
    %div3A_117 = arith.divf %broadcast_in_dim3A_54, %add3A_115 : vector<256x1xf32>
    %lt3A_118 = arith.constant 6.400000e+02 : f32
    %lt3A_119 = vector.broadcast %lt3A_118 : f32 to vector<256x1xf32>
    %lt3A_120 = arith.cmpf olt, %broadcast_in_dim3A_81, %lt3A_119 : vector<256x1xf32>
    %lt3A_121 = arith.constant 6.400000e+02 : f32
    %lt3A_122 = vector.broadcast %lt3A_121 : f32 to vector<256x1xf32>
    %lt3A_123 = arith.cmpf olt, %broadcast_in_dim3A_87, %lt3A_122 : vector<256x1xf32>
    %mul3A_124 = arith.constant 6.400000e+02 : f32
    %mul3A_125 = vector.broadcast %mul3A_124 : f32 to vector<256x1xf32>
    %mul3A_126 = arith.mulf %broadcast_in_dim3A_42, %mul3A_125 : vector<256x1xf32>
    %add3A_127 = arith.addf %mul3A_126, %broadcast_in_dim3A_81 : vector<256x1xf32>
    %jit3A_128 = arith.constant 5.120000e+03 : f32
    %broadcast_in_dim3A_129 = vector.broadcast %jit3A_128 : f32 to vector<256x1xf32>
    %select_n3A_130 = arith.select %lt3A_120, %add3A_127, %broadcast_in_dim3A_129 : vector<256x1xi1>, vector<256x1xf32>
    %mul3A_131 = arith.constant 6.400000e+02 : f32
    %mul3A_132 = vector.broadcast %mul3A_131 : f32 to vector<256x1xf32>
    %mul3A_133 = arith.mulf %broadcast_in_dim3A_62, %mul3A_132 : vector<256x1xf32>
    %add3A_134 = arith.addf %mul3A_133, %broadcast_in_dim3A_87 : vector<256x1xf32>
    %jit3A_135 = arith.constant 5.120000e+03 : f32
    %broadcast_in_dim3A_136 = vector.broadcast %jit3A_135 : f32 to vector<256x1xf32>
    %select_n3A_137 = arith.select %lt3A_123, %add3A_134, %broadcast_in_dim3A_136 : vector<256x1xi1>, vector<256x1xf32>
    %convert_element_type3A_138 = arith.fptosi %select_n3A_130 : vector<256x1xf32> to vector<256x1xi32>
    %swap3A_139 = arith.constant 0 : index
    %swap3A_140 = arith.constant 0 : index
    %swap3A_141 = vector.load %arg8[%swap3A_139, %swap3A_140] : memref<256x1xi32, #tpu.memory_space<vmem>>, vector<256x1xi32>
    tpu.vector_store %arg8[%swap3A_139, %swap3A_140], %convert_element_type3A_138 {strides = array<i32>} : memref<256x1xi32, #tpu.memory_space<vmem>>, vector<256x1xi32>,
    %convert_element_type3A_142 = arith.fptosi %select_n3A_137 : vector<256x1xf32> to vector<256x1xi32>
    %swap3A_143 = arith.constant 0 : index
    %swap3A_144 = arith.constant 0 : index
    %swap3A_145 = vector.load %arg9[%swap3A_143, %swap3A_144] : memref<256x1xi32, #tpu.memory_space<vmem>>, vector<256x1xi32>
    tpu.vector_store %arg9[%swap3A_143, %swap3A_144], %convert_element_type3A_142 {strides = array<i32>} : memref<256x1xi32, #tpu.memory_space<vmem>>, vector<256x1xi32>,
    %min3A = arith.constant 5.119000e+03 : f32
    %min3A_146 = vector.broadcast %min3A : f32 to vector<256x1xf32>
    %min3A_147 = arith.minimumf %select_n3A_130, %min3A_146 : vector<256x1xf32>
    %convert_element_type3A_148 = arith.fptosi %min3A_147 : vector<256x1xf32> to vector<256x1xi32>
    %swap3A_149 = arith.constant 0 : index
    %swap3A_150 = arith.constant 0 : index
    %swap3A_151 = vector.load %arg10[%swap3A_149, %swap3A_150] : memref<256x1xi32, #tpu.memory_space<vmem>>, vector<256x1xi32>
    tpu.vector_store %arg10[%swap3A_149, %swap3A_150], %convert_element_type3A_148 {strides = array<i32>} : memref<256x1xi32, #tpu.memory_space<vmem>>, vector<256x1xi32>,
    %min3A_152 = arith.constant 5.119000e+03 : f32
    %min3A_153 = vector.broadcast %min3A_152 : f32 to vector<256x1xf32>
    %min3A_154 = arith.minimumf %select_n3A_137, %min3A_153 : vector<256x1xf32>
    %convert_element_type3A_155 = arith.fptosi %min3A_154 : vector<256x1xf32> to vector<256x1xi32>
    %swap3A_156 = arith.constant 0 : index
    %swap3A_157 = arith.constant 0 : index
    %swap3A_158 = vector.load %arg11[%swap3A_156, %swap3A_157] : memref<256x1xi32, #tpu.memory_space<vmem>>, vector<256x1xi32>
    tpu.vector_store %arg11[%swap3A_156, %swap3A_157], %convert_element_type3A_155 {strides = array<i32>} : memref<256x1xi32, #tpu.memory_space<vmem>>, vector<256x1xi32>,
    %jit3A_159 = arith.constant 0.000000e+00 : f32
    %broadcast_in_dim3A_160 = vector.broadcast %jit3A_159 : f32 to vector<256x1xf32>
    %select_n3A_161 = arith.select %lt3A_120, %div3A_116, %broadcast_in_dim3A_160 : vector<256x1xi1>, vector<256x1xf32>
    %swap3A_162 = arith.constant 0 : index
    %swap3A_163 = arith.constant 0 : index
    %swap3A_164 = vector.load %arg12[%swap3A_162, %swap3A_163] : memref<256x1xf32, #tpu.memory_space<vmem>>, vector<256x1xf32>
    tpu.vector_store %arg12[%swap3A_162, %swap3A_163], %select_n3A_161 {strides = array<i32>} : memref<256x1xf32, #tpu.memory_space<vmem>>, vector<256x1xf32>,
    %jit3A_165 = arith.constant 0.000000e+00 : f32
    %broadcast_in_dim3A_166 = vector.broadcast %jit3A_165 : f32 to vector<256x1xf32>
    %select_n3A_167 = arith.select %lt3A_123, %div3A_117, %broadcast_in_dim3A_166 : vector<256x1xi1>, vector<256x1xf32>
    %swap3A_168 = arith.constant 0 : index
    %swap3A_169 = arith.constant 0 : index
    %swap3A_170 = vector.load %arg13[%swap3A_168, %swap3A_169] : memref<256x1xf32, #tpu.memory_space<vmem>>, vector<256x1xf32>
    tpu.vector_store %arg13[%swap3A_168, %swap3A_169], %select_n3A_167 {strides = array<i32>} : memref<256x1xf32, #tpu.memory_space<vmem>>, vector<256x1xf32>,
    %lt3A_171 = arith.constant 2.000000e+00 : f32
    %lt3A_172 = vector.broadcast %lt3A_171 : f32 to vector<256x128xf32>
    %lt3A_173 = arith.cmpf olt, %convert_element_type3A_16, %lt3A_172 : vector<256x128xf32>
    %get3A_174 = arith.constant 0 : index
    %get3A_175 = arith.constant 0 : index
    %get3A_176 = vector.load %arg5[%get3A_174, %get3A_175] : memref<1024x128xf32, #tpu.memory_space<vmem>>, vector<1024x128xf32>
    %dot_general3A_177 = arith.constant dense<0.000000e+00> : vector<256x128xf32>
    %dot_general3A_178 = tpu.matmul %max3A_13, %get3A_176, %dot_general3A_177 {dimension_numbers = #tpu.dot_dimension_numbers<[1], [0], [0], [1], [0, 0, 1, 1], [], []>, transpose_lhs_hint = false} : vector<256x1024xf32>, vector<1024x128xf32>, vector<256x128xf32> -> vector<256x128xf32>
    %get3A_179 = arith.constant 0 : index
    %get3A_180 = arith.constant 0 : index
    %get3A_181 = vector.load %arg6[%get3A_179, %get3A_180] : memref<1x128xf32, #tpu.memory_space<vmem>>, vector<1x128xf32>
    %add3A_182 = vector.broadcast %get3A_181 : vector<1x128xf32> to vector<256x128xf32>
    %add3A_183 = arith.addf %dot_general3A_178, %add3A_182 : vector<256x128xf32>
    %jit3A_184 = arith.constant -1.000000e+30 : f32
    %broadcast_in_dim3A_185 = vector.broadcast %jit3A_184 : f32 to vector<256x128xf32>
    %select_n3A_186 = arith.select %lt3A_173, %add3A_183, %broadcast_in_dim3A_185 : vector<256x128xi1>, vector<256x128xf32>
    %reduce_max3A_187 = arith.constant dense<0xFF800000> : vector<256xf32>
    %reduce_max3A_188 = vector.multi_reduction <maximumf>, %select_n3A_186, %reduce_max3A_187 [1] : vector<256x128xf32> to vector<256xf32>
    %broadcast_in_dim3A_189 = vector.shape_cast %reduce_max3A_188 : vector<256xf32> to vector<256x1xf32>
    %sub3A_190 = vector.broadcast %broadcast_in_dim3A_189 : vector<256x1xf32> to vector<256x128xf32>
    %sub3A_191 = arith.subf %select_n3A_186, %sub3A_190 : vector<256x128xf32>
    %exp3A_192 = math.exp %sub3A_191 : vector<256x128xf32>
    %jit3A_193 = arith.constant 0.000000e+00 : f32
    %broadcast_in_dim3A_194 = vector.broadcast %jit3A_193 : f32 to vector<256x128xf32>
    %select_n3A_195 = arith.select %lt3A_173, %exp3A_192, %broadcast_in_dim3A_194 : vector<256x128xi1>, vector<256x128xf32>
    %reduce_sum3A_196 = arith.constant dense<0.000000e+00> : vector<256xf32>
    %reduce_sum3A_197 = vector.multi_reduction <add>, %select_n3A_195, %reduce_sum3A_196 [1] : vector<256x128xf32> to vector<256xf32>
    %broadcast_in_dim3A_198 = vector.shape_cast %reduce_sum3A_197 : vector<256xf32> to vector<256x1xf32>
    %div3A_199 = vector.broadcast %broadcast_in_dim3A_198 : vector<256x1xf32> to vector<256x128xf32>
    %div3A_200 = arith.divf %select_n3A_195, %div3A_199 : vector<256x128xf32>
    %eq3A_201 = arith.constant 0.000000e+00 : f32
    %eq3A_202 = vector.broadcast %eq3A_201 : f32 to vector<256x128xf32>
    %eq3A_203 = arith.cmpf oeq, %convert_element_type3A_16, %eq3A_202 : vector<256x128xf32>
    %jit3A_204 = arith.constant 0.000000e+00 : f32
    %broadcast_in_dim3A_205 = vector.broadcast %jit3A_204 : f32 to vector<256x128xf32>
    %select_n3A_206 = arith.select %eq3A_203, %div3A_200, %broadcast_in_dim3A_205 : vector<256x128xi1>, vector<256x128xf32>
    %reduce_sum3A_207 = arith.constant dense<0.000000e+00> : vector<256xf32>
    %reduce_sum3A_208 = vector.multi_reduction <add>, %select_n3A_206, %reduce_sum3A_207 [1] : vector<256x128xf32> to vector<256xf32>
    %broadcast_in_dim3A_209 = vector.shape_cast %reduce_sum3A_208 : vector<256xf32> to vector<256x1xf32>
    %swap3A_210 = arith.constant 0 : index
    %swap3A_211 = arith.constant 0 : index
    %swap3A_212 = vector.load %arg16[%swap3A_210, %swap3A_211] : memref<256x1xf32, #tpu.memory_space<vmem>>, vector<256x1xf32>
    tpu.vector_store %arg16[%swap3A_210, %swap3A_211], %broadcast_in_dim3A_209 {strides = array<i32>} : memref<256x1xf32, #tpu.memory_space<vmem>>, vector<256x1xf32>,
    %eq3A_213 = arith.constant 1.000000e+00 : f32
    %eq3A_214 = vector.broadcast %eq3A_213 : f32 to vector<256x128xf32>
    %eq3A_215 = arith.cmpf oeq, %convert_element_type3A_16, %eq3A_214 : vector<256x128xf32>
    %jit3A_216 = arith.constant 0.000000e+00 : f32
    %broadcast_in_dim3A_217 = vector.broadcast %jit3A_216 : f32 to vector<256x128xf32>
    %select_n3A_218 = arith.select %eq3A_215, %div3A_200, %broadcast_in_dim3A_217 : vector<256x128xi1>, vector<256x128xf32>
    %reduce_sum3A_219 = arith.constant dense<0.000000e+00> : vector<256xf32>
    %reduce_sum3A_220 = vector.multi_reduction <add>, %select_n3A_218, %reduce_sum3A_219 [1] : vector<256x128xf32> to vector<256xf32>
    %broadcast_in_dim3A_221 = vector.shape_cast %reduce_sum3A_220 : vector<256xf32> to vector<256x1xf32>
    %swap3A_222 = arith.constant 0 : index
    %swap3A_223 = arith.constant 0 : index
    %swap3A_224 = vector.load %arg17[%swap3A_222, %swap3A_223] : memref<256x1xf32, #tpu.memory_space<vmem>>, vector<256x1xf32>
    tpu.vector_store %arg17[%swap3A_222, %swap3A_223], %broadcast_in_dim3A_221 {strides = array<i32>} : memref<256x1xf32, #tpu.memory_space<vmem>>, vector<256x1xf32>,
    %eq3A_225 = arith.constant 7 : i32
    %eq3A_226 = arith.cmpi eq, %arg0, %eq3A_225 : i32
    %convert_element_type3A_227 = arith.extui %eq3A_226 : i1 to i32
    %cond3A_228 = arith.constant 0 : i32
    %cond3A_229 = arith.cmpi ne, %convert_element_type3A_227, %cond3A_228 : i32
    scf.if %cond3A_229 {
      %get3A_230 = arith.constant 0 : index
      %get3A_231 = arith.constant 0 : index
      %get3A_232 = vector.load %arg19[%get3A_230, %get3A_231] : memref<1x128xf32, #tpu.memory_space<vmem>>, vector<1x128xf32>
      %div3A_233 = arith.constant 2.048000e+03 : f32
      %div3A_234 = vector.broadcast %div3A_233 : f32 to vector<1x128xf32>
      %div3A_235 = arith.divf %get3A_232, %div3A_234 : vector<1x128xf32>
      %get3A_236 = arith.constant 0 : index
      %get3A_237 = arith.constant 0 : index
      %get3A_238 = vector.load %arg20[%get3A_236, %get3A_237] : memref<1x128xf32, #tpu.memory_space<vmem>>, vector<1x128xf32>
      %div3A_239 = arith.constant 2.048000e+03 : f32
      %div3A_240 = vector.broadcast %div3A_239 : f32 to vector<1x128xf32>
      %div3A_241 = arith.divf %get3A_238, %div3A_240 : vector<1x128xf32>
      %mul3A_242 = arith.mulf %div3A_235, %div3A_241 : vector<1x128xf32>
      %reduce_sum3A_243 = vector.shape_cast %mul3A_242 : vector<1x128xf32> to vector<1x1x128xf32>
      %reduce_sum3A_244 = arith.constant dense<0.000000e+00> : vector<1xf32>
      %reduce_sum3A_245 = vector.multi_reduction <add>, %reduce_sum3A_243, %reduce_sum3A_244 [1, 2] : vector<1x1x128xf32> to vector<1xf32>
      %reduce_sum3A_246 = vector.shape_cast %reduce_sum3A_245 : vector<1xf32> to vector<1x1x1xf32>
      %reduce_sum3A_247 = vector.extract %reduce_sum3A_246[0, 0, 0] : f32 from vector<1x1x1xf32>
      %broadcast_in_dim3A_248 = vector.broadcast %reduce_sum3A_247 : f32 to vector<1x1xf32>
      %mul3A_249 = arith.constant 8.000000e+00 : f32
      %mul3A_250 = vector.broadcast %mul3A_249 : f32 to vector<1x1xf32>
      %mul3A_251 = arith.mulf %mul3A_250, %broadcast_in_dim3A_248 : vector<1x1xf32>
      %swap3A_252 = arith.constant 0 : index
      %swap3A_253 = arith.constant 0 : index
      %swap3A_254 = vector.load %arg14[%swap3A_252, %swap3A_253] : memref<1x1xf32, #tpu.memory_space<vmem>>, vector<1x1xf32>
      tpu.vector_store %arg14[%swap3A_252, %swap3A_253], %mul3A_251 {strides = array<i32>} : memref<1x1xf32, #tpu.memory_space<vmem>>, vector<1x1xf32>,
      %get3A_255 = arith.constant 0 : index
      %get3A_256 = arith.constant 0 : index
      %get3A_257 = vector.load %arg18[%get3A_255, %get3A_256] : memref<1x128xf32, #tpu.memory_space<vmem>>, vector<1x128xf32>
      %convert_element_type3A_258 = arith.fptosi %get3A_257 : vector<1x128xf32> to vector<1x128xi32>
      %swap3A_259 = arith.constant 0 : index
      %swap3A_260 = arith.constant 0 : index
      %swap3A_261 = vector.load %arg15[%swap3A_259, %swap3A_260] : memref<1x128xi32, #tpu.memory_space<vmem>>, vector<1x128xi32>
      tpu.vector_store %arg15[%swap3A_259, %swap3A_260], %convert_element_type3A_258 {strides = array<i32>} : memref<1x128xi32, #tpu.memory_space<vmem>>, vector<1x128xi32>,
    } else {
    }
    return
  }
  func.func @transform_0(%arg0: i32) -> (i32, i32) {
    %c0_i32 = arith.constant 0 : i32
    %c0_i32_0 = arith.constant 0 : i32
    return %arg0, %c0_i32 : i32, i32
  }
  func.func @transform_1(%arg0: i32) -> (i32, i32) {
    %c0_i32 = arith.constant 0 : i32
    %c0_i32_0 = arith.constant 0 : i32
    %c0_i32_1 = arith.constant 0 : i32
    return %c0_i32, %c0_i32_0 : i32, i32
  }
  func.func @transform_2(%arg0: i32) -> (i32, i32) {
    %c0_i32 = arith.constant 0 : i32
    %c0_i32_0 = arith.constant 0 : i32
    %c0_i32_1 = arith.constant 0 : i32
    return %c0_i32, %c0_i32_0 : i32, i32
  }
  func.func @transform_3(%arg0: i32) -> (i32, i32) {
    %c0_i32 = arith.constant 0 : i32
    %c0_i32_0 = arith.constant 0 : i32
    %c0_i32_1 = arith.constant 0 : i32
    return %c0_i32, %c0_i32_0 : i32, i32
  }
  func.func @transform_4(%arg0: i32) -> (i32, i32) {
    %c0_i32 = arith.constant 0 : i32
    %c0_i32_0 = arith.constant 0 : i32
    %c0_i32_1 = arith.constant 0 : i32
    return %c0_i32, %c0_i32_0 : i32, i32
  }
  func.func @transform_5(%arg0: i32) -> (i32, i32) {
    %c0_i32 = arith.constant 0 : i32
    %c0_i32_0 = arith.constant 0 : i32
    %c0_i32_1 = arith.constant 0 : i32
    return %c0_i32, %c0_i32_0 : i32, i32
  }
  func.func @transform_6(%arg0: i32) -> (i32, i32) {
    %c0_i32 = arith.constant 0 : i32
    %c0_i32_0 = arith.constant 0 : i32
    return %arg0, %c0_i32 : i32, i32
  }
  func.func @transform_7(%arg0: i32) -> (i32, i32) {
    %c0_i32 = arith.constant 0 : i32
    %c0_i32_0 = arith.constant 0 : i32
    return %arg0, %c0_i32 : i32, i32
  }
  func.func @transform_8(%arg0: i32) -> (i32, i32) {
    %c0_i32 = arith.constant 0 : i32
    %c0_i32_0 = arith.constant 0 : i32
    return %arg0, %c0_i32 : i32, i32
  }
  func.func @transform_9(%arg0: i32) -> (i32, i32) {
    %c0_i32 = arith.constant 0 : i32
    %c0_i32_0 = arith.constant 0 : i32
    return %arg0, %c0_i32 : i32, i32
  }
  func.func @transform_10(%arg0: i32) -> (i32, i32) {
    %c0_i32 = arith.constant 0 : i32
    %c0_i32_0 = arith.constant 0 : i32
    return %arg0, %c0_i32 : i32, i32
  }
  func.func @transform_11(%arg0: i32) -> (i32, i32) {
    %c0_i32 = arith.constant 0 : i32
    %c0_i32_0 = arith.constant 0 : i32
    return %arg0, %c0_i32 : i32, i32
  }
  func.func @transform_12(%arg0: i32) -> (i32, i32) {
    %c0_i32 = arith.constant 0 : i32
    %c0_i32_0 = arith.constant 0 : i32
    return %arg0, %c0_i32 : i32, i32
  }
  func.func @transform_13(%arg0: i32) -> (i32, i32) {
    %c0_i32 = arith.constant 0 : i32
    %c0_i32_0 = arith.constant 0 : i32
    %c0_i32_1 = arith.constant 0 : i32
    return %c0_i32, %c0_i32_0 : i32, i32
  }
  func.func @transform_14(%arg0: i32) -> (i32, i32) {
    %c0_i32 = arith.constant 0 : i32
    %c0_i32_0 = arith.constant 0 : i32
    %c0_i32_1 = arith.constant 0 : i32
    return %c0_i32, %c0_i32_0 : i32, i32
  }
  func.func @transform_15(%arg0: i32) -> (i32, i32) {
    %c0_i32 = arith.constant 0 : i32
    %c0_i32_0 = arith.constant 0 : i32
    return %arg0, %c0_i32 : i32, i32
  }
  func.func @transform_16(%arg0: i32) -> (i32, i32) {
    %c0_i32 = arith.constant 0 : i32
    %c0_i32_0 = arith.constant 0 : i32
    return %arg0, %c0_i32 : i32, i32
  }
}

module attributes {stable_mosaic.version = 14 : i64} {
  func.func @_kc_body(%arg0: i32, %arg1: i32, %arg2: memref<8xi32, #tpu.memory_space<smem>>, %arg3: memref<640x1024xf32, #tpu.memory_space<vmem>>, %arg4: memref<1x1024x512xf32, #tpu.memory_space<vmem>>, %arg5: memref<1x1x512xf32, #tpu.memory_space<vmem>>, %arg6: memref<1x512x1024xf32, #tpu.memory_space<vmem>>, %arg7: memref<1x1x1024xf32, #tpu.memory_space<vmem>>, %arg8: memref<640x1024xf32, #tpu.memory_space<vmem>>, %arg9: memref<640x1024xf32, #tpu.memory_space<vmem>>, %arg10: memref<640x1024xf32, #tpu.memory_space<vmem>>) attributes {dimension_semantics = [#tpu.dimension_semantics<arbitrary>, #tpu.dimension_semantics<arbitrary>], iteration_bounds = array<i64: 8, 8>, scalar_prefetch = 0 : i64, scratch_operands = 2 : i64, tpu.core_type = #tpu.core_type<tc>, window_params = [{transform_indices = @transform_0, window_bounds = array<i64: 8>}, {transform_indices = @transform_1, window_bounds = array<i64: 640, 1024>}, {transform_indices = @transform_2, window_bounds = array<i64: 1, 1024, 512>}, {transform_indices = @transform_3, window_bounds = array<i64: 1, 1, 512>}, {transform_indices = @transform_4, window_bounds = array<i64: 1, 512, 1024>}, {transform_indices = @transform_5, window_bounds = array<i64: 1, 1, 1024>}, {transform_indices = @transform_6, window_bounds = array<i64: 640, 1024>}]} {
    %eq3A = arith.constant 0 : i32
    %eq3A_0 = arith.cmpi eq, %arg1, %eq3A : i32
    %convert_element_type3A = arith.extui %eq3A_0 : i1 to i32
    %cond3A = arith.constant 0 : i32
    %cond3A_1 = arith.cmpi ne, %convert_element_type3A, %cond3A : i32
    scf.if %cond3A_1 {
      %get3A_39 = arith.index_cast %arg0 : i32 to index
      %get3A_40 = memref.load %arg2[%get3A_39] : memref<8xi32, #tpu.memory_space<smem>>
      %min3A = arith.constant 640 : i32
      %min3A_41 = arith.minsi %get3A_40, %min3A : i32
      %iota3A = tpu.iota {dimensions = array<i32: 0>} : vector<640x1xi32>
      %lt3A = vector.broadcast %min3A_41 : i32 to vector<640x1xi32>
      %lt3A_42 = arith.cmpi slt, %iota3A, %lt3A : vector<640x1xi32>
      %get3A_43 = arith.constant 0 : index
      %get3A_44 = arith.constant 0 : index
      %get3A_45 = vector.load %arg3[%get3A_43, %get3A_44] : memref<640x1024xf32, #tpu.memory_space<vmem>>, vector<640x1024xf32>
      %jit3A = arith.constant 0.000000e+00 : f32
      %broadcast_in_dim3A = vector.shape_cast %lt3A_42 : vector<640x1xi1> to vector<640x1xi1>
      %broadcast_in_dim3A_46 = vector.broadcast %broadcast_in_dim3A : vector<640x1xi1> to vector<640x1024xi1>
      %broadcast_in_dim3A_47 = vector.broadcast %jit3A : f32 to vector<640x1024xf32>
      %select_n3A = arith.select %broadcast_in_dim3A_46, %get3A_45, %broadcast_in_dim3A_47 : vector<640x1024xi1>, vector<640x1024xf32>
      %swap3A = arith.constant 0 : index
      %swap3A_48 = arith.constant 0 : index
      %swap3A_49 = vector.load %arg9[%swap3A, %swap3A_48] : memref<640x1024xf32, #tpu.memory_space<vmem>>, vector<640x1024xf32>
      tpu.vector_store %arg9[%swap3A, %swap3A_48], %select_n3A {strides = array<i32>} : memref<640x1024xf32, #tpu.memory_space<vmem>>, vector<640x1024xf32>,
    } else {
    }
    %get3A = arith.constant 0 : index
    %get3A_2 = arith.constant 0 : index
    %get3A_3 = vector.load %arg9[%get3A, %get3A_2] : memref<640x1024xf32, #tpu.memory_space<vmem>>, vector<640x1024xf32>
    %get3A_4 = arith.constant 0 : index
    %get3A_5 = arith.constant 0 : index
    %get3A_6 = arith.constant 0 : index
    %get3A_7 = vector.load %arg4[%get3A_4, %get3A_5, %get3A_6] : memref<1x1024x512xf32, #tpu.memory_space<vmem>>, vector<1x1024x512xf32>
    %get3A_8 = vector.shape_cast %get3A_7 : vector<1x1024x512xf32> to vector<1024x512xf32>
    %dot_general3A = arith.constant dense<0.000000e+00> : vector<640x512xf32>
    %dot_general3A_9 = tpu.matmul %get3A_3, %get3A_8, %dot_general3A {dimension_numbers = #tpu.dot_dimension_numbers<[1], [0], [0], [1], [0, 0, 1, 1], [], []>, transpose_lhs_hint = false} : vector<640x1024xf32>, vector<1024x512xf32>, vector<640x512xf32> -> vector<640x512xf32>
    %get3A_10 = arith.constant 0 : index
    %get3A_11 = arith.constant 0 : index
    %get3A_12 = arith.constant 0 : index
    %get3A_13 = vector.load %arg5[%get3A_10, %get3A_11, %get3A_12] : memref<1x1x512xf32, #tpu.memory_space<vmem>>, vector<1x1x512xf32>
    %get3A_14 = vector.shape_cast %get3A_13 : vector<1x1x512xf32> to vector<1x512xf32>
    %add3A = vector.broadcast %get3A_14 : vector<1x512xf32> to vector<640x512xf32>
    %add3A_15 = arith.addf %dot_general3A_9, %add3A : vector<640x512xf32>
    %max3A = arith.constant 0.000000e+00 : f32
    %max3A_16 = vector.broadcast %max3A : f32 to vector<640x512xf32>
    %max3A_17 = arith.maximumf %add3A_15, %max3A_16 : vector<640x512xf32>
    %get3A_18 = arith.constant 0 : index
    %get3A_19 = arith.constant 0 : index
    %get3A_20 = arith.constant 0 : index
    %get3A_21 = vector.load %arg6[%get3A_18, %get3A_19, %get3A_20] : memref<1x512x1024xf32, #tpu.memory_space<vmem>>, vector<1x512x1024xf32>
    %get3A_22 = vector.shape_cast %get3A_21 : vector<1x512x1024xf32> to vector<512x1024xf32>
    %dot_general3A_23 = arith.constant dense<0.000000e+00> : vector<640x1024xf32>
    %dot_general3A_24 = tpu.matmul %max3A_17, %get3A_22, %dot_general3A_23 {dimension_numbers = #tpu.dot_dimension_numbers<[1], [0], [0], [1], [0, 0, 1, 1], [], []>, transpose_lhs_hint = false} : vector<640x512xf32>, vector<512x1024xf32>, vector<640x1024xf32> -> vector<640x1024xf32>
    %eq3A_25 = arith.constant 0 : i32
    %eq3A_26 = arith.cmpi eq, %arg1, %eq3A_25 : i32
    %convert_element_type3A_27 = arith.extui %eq3A_26 : i1 to i32
    %cond3A_28 = arith.constant 0 : i32
    %cond3A_29 = arith.cmpi ne, %convert_element_type3A_27, %cond3A_28 : i32
    scf.if %cond3A_29 {
      %get3A_39 = arith.constant 0 : index
      %get3A_40 = arith.constant 0 : index
      %get3A_41 = arith.constant 0 : index
      %get3A_42 = vector.load %arg7[%get3A_39, %get3A_40, %get3A_41] : memref<1x1x1024xf32, #tpu.memory_space<vmem>>, vector<1x1x1024xf32>
      %get3A_43 = vector.shape_cast %get3A_42 : vector<1x1x1024xf32> to vector<1x1024xf32>
      %add3A_44 = vector.broadcast %get3A_43 : vector<1x1024xf32> to vector<640x1024xf32>
      %add3A_45 = arith.addf %dot_general3A_24, %add3A_44 : vector<640x1024xf32>
      %swap3A = arith.constant 0 : index
      %swap3A_46 = arith.constant 0 : index
      %swap3A_47 = vector.load %arg10[%swap3A, %swap3A_46] : memref<640x1024xf32, #tpu.memory_space<vmem>>, vector<640x1024xf32>
      tpu.vector_store %arg10[%swap3A, %swap3A_46], %add3A_45 {strides = array<i32>} : memref<640x1024xf32, #tpu.memory_space<vmem>>, vector<640x1024xf32>,
    } else {
    }
    %gt3A = arith.constant 0 : i32
    %gt3A_30 = arith.cmpi sgt, %arg1, %gt3A : i32
    %convert_element_type3A_31 = arith.extui %gt3A_30 : i1 to i32
    %cond3A_32 = arith.constant 0 : i32
    %cond3A_33 = arith.cmpi ne, %convert_element_type3A_31, %cond3A_32 : i32
    scf.if %cond3A_33 {
      %get3A_39 = arith.constant 0 : index
      %get3A_40 = arith.constant 0 : index
      %get3A_41 = vector.load %arg10[%get3A_39, %get3A_40] : memref<640x1024xf32, #tpu.memory_space<vmem>>, vector<640x1024xf32>
      %add3A_42 = arith.addf %get3A_41, %dot_general3A_24 : vector<640x1024xf32>
      %swap3A = arith.constant 0 : index
      %swap3A_43 = arith.constant 0 : index
      %swap3A_44 = vector.load %arg10[%swap3A, %swap3A_43] : memref<640x1024xf32, #tpu.memory_space<vmem>>, vector<640x1024xf32>
      tpu.vector_store %arg10[%swap3A, %swap3A_43], %add3A_42 {strides = array<i32>} : memref<640x1024xf32, #tpu.memory_space<vmem>>, vector<640x1024xf32>,
    } else {
    }
    %eq3A_34 = arith.constant 7 : i32
    %eq3A_35 = arith.cmpi eq, %arg1, %eq3A_34 : i32
    %convert_element_type3A_36 = arith.extui %eq3A_35 : i1 to i32
    %cond3A_37 = arith.constant 0 : i32
    %cond3A_38 = arith.cmpi ne, %convert_element_type3A_36, %cond3A_37 : i32
    scf.if %cond3A_38 {
      %get3A_39 = arith.constant 0 : index
      %get3A_40 = arith.constant 0 : index
      %get3A_41 = vector.load %arg10[%get3A_39, %get3A_40] : memref<640x1024xf32, #tpu.memory_space<vmem>>, vector<640x1024xf32>
      %swap3A = arith.constant 0 : index
      %swap3A_42 = arith.constant 0 : index
      %swap3A_43 = vector.load %arg8[%swap3A, %swap3A_42] : memref<640x1024xf32, #tpu.memory_space<vmem>>, vector<640x1024xf32>
      tpu.vector_store %arg8[%swap3A, %swap3A_42], %get3A_41 {strides = array<i32>} : memref<640x1024xf32, #tpu.memory_space<vmem>>, vector<640x1024xf32>,
    } else {
    }
    return
  }
  func.func @transform_0(%arg0: i32, %arg1: i32) -> i32 {
    %c0_i32 = arith.constant 0 : i32
    %c0_i32_0 = arith.constant 0 : i32
    return %c0_i32 : i32
  }
  func.func @transform_1(%arg0: i32, %arg1: i32) -> (i32, i32) {
    %c0_i32 = arith.constant 0 : i32
    %c0_i32_0 = arith.constant 0 : i32
    return %arg0, %c0_i32 : i32, i32
  }
  func.func @transform_2(%arg0: i32, %arg1: i32) -> (i32, i32, i32) {
    %c0_i32 = arith.constant 0 : i32
    %c0_i32_0 = arith.constant 0 : i32
    return %arg0, %c0_i32, %arg1 : i32, i32, i32
  }
  func.func @transform_3(%arg0: i32, %arg1: i32) -> (i32, i32, i32) {
    %c0_i32 = arith.constant 0 : i32
    %c0_i32_0 = arith.constant 0 : i32
    return %arg0, %c0_i32, %arg1 : i32, i32, i32
  }
  func.func @transform_4(%arg0: i32, %arg1: i32) -> (i32, i32, i32) {
    %c0_i32 = arith.constant 0 : i32
    %c0_i32_0 = arith.constant 0 : i32
    return %arg0, %arg1, %c0_i32 : i32, i32, i32
  }
  func.func @transform_5(%arg0: i32, %arg1: i32) -> (i32, i32, i32) {
    %c0_i32 = arith.constant 0 : i32
    %c0_i32_0 = arith.constant 0 : i32
    %c0_i32_1 = arith.constant 0 : i32
    return %arg0, %c0_i32, %c0_i32_0 : i32, i32, i32
  }
  func.func @transform_6(%arg0: i32, %arg1: i32) -> (i32, i32) {
    %c0_i32 = arith.constant 0 : i32
    %c0_i32_0 = arith.constant 0 : i32
    return %arg0, %c0_i32 : i32, i32
  }
}

module attributes {stable_mosaic.version = 14 : i64} {
  func.func @_ke_body(%arg0: i32, %arg1: memref<2048x1024xf32, #tpu.memory_space<vmem>>, %arg2: memref<1024x512xf32, #tpu.memory_space<vmem>>, %arg3: memref<1x512xf32, #tpu.memory_space<vmem>>, %arg4: memref<512x1024xf32, #tpu.memory_space<vmem>>, %arg5: memref<1x1024xf32, #tpu.memory_space<vmem>>, %arg6: memref<2048x1024xf32, #tpu.memory_space<vmem>>, %arg7: memref<2048x1024xf32, #tpu.memory_space<vmem>>) attributes {dimension_semantics = [#tpu.dimension_semantics<arbitrary>], iteration_bounds = array<i64: 8>, scalar_prefetch = 0 : i64, scratch_operands = 1 : i64, tpu.core_type = #tpu.core_type<tc>, window_params = [{pipeline_mode = #tpu.pipeline_mode<synchronous>, transform_indices = @transform_0, window_bounds = array<i64: 2048, 1024>}, {transform_indices = @transform_1, window_bounds = array<i64: 1024, 512>}, {transform_indices = @transform_2, window_bounds = array<i64: 1, 512>}, {transform_indices = @transform_3, window_bounds = array<i64: 512, 1024>}, {pipeline_mode = #tpu.pipeline_mode<synchronous>, transform_indices = @transform_4, window_bounds = array<i64: 1, 1024>}, {pipeline_mode = #tpu.pipeline_mode<synchronous>, transform_indices = @transform_5, window_bounds = array<i64: 2048, 1024>}]} {
    %get3A = arith.constant 0 : index
    %get3A_0 = arith.constant 0 : index
    %get3A_1 = vector.load %arg1[%get3A, %get3A_0] : memref<2048x1024xf32, #tpu.memory_space<vmem>>, vector<512x1024xf32>
    %get3A_2 = arith.constant 0 : index
    %get3A_3 = arith.constant 0 : index
    %get3A_4 = vector.load %arg2[%get3A_2, %get3A_3] : memref<1024x512xf32, #tpu.memory_space<vmem>>, vector<1024x512xf32>
    %dot_general3A = arith.constant dense<0.000000e+00> : vector<512x512xf32>
    %dot_general3A_5 = tpu.matmul %get3A_1, %get3A_4, %dot_general3A {dimension_numbers = #tpu.dot_dimension_numbers<[1], [0], [0], [1], [0, 0, 1, 1], [], []>, transpose_lhs_hint = false} : vector<512x1024xf32>, vector<1024x512xf32>, vector<512x512xf32> -> vector<512x512xf32>
    %get3A_6 = arith.constant 0 : index
    %get3A_7 = arith.constant 0 : index
    %get3A_8 = vector.load %arg3[%get3A_6, %get3A_7] : memref<1x512xf32, #tpu.memory_space<vmem>>, vector<1x512xf32>
    %add3A = vector.broadcast %get3A_8 : vector<1x512xf32> to vector<512x512xf32>
    %add3A_9 = arith.addf %dot_general3A_5, %add3A : vector<512x512xf32>
    %max3A = arith.constant 0.000000e+00 : f32
    %max3A_10 = vector.broadcast %max3A : f32 to vector<512x512xf32>
    %max3A_11 = arith.maximumf %add3A_9, %max3A_10 : vector<512x512xf32>
    %get3A_12 = arith.constant 0 : index
    %get3A_13 = arith.constant 0 : index
    %get3A_14 = vector.load %arg4[%get3A_12, %get3A_13] : memref<512x1024xf32, #tpu.memory_space<vmem>>, vector<512x1024xf32>
    %dot_general3A_15 = arith.constant dense<0.000000e+00> : vector<512x1024xf32>
    %dot_general3A_16 = tpu.matmul %max3A_11, %get3A_14, %dot_general3A_15 {dimension_numbers = #tpu.dot_dimension_numbers<[1], [0], [0], [1], [0, 0, 1, 1], [], []>, transpose_lhs_hint = false} : vector<512x512xf32>, vector<512x1024xf32>, vector<512x1024xf32> -> vector<512x1024xf32>
    %eq3A = arith.constant 0 : i32
    %eq3A_17 = arith.cmpi eq, %arg0, %eq3A : i32
    %convert_element_type3A = arith.extui %eq3A_17 : i1 to i32
    %cond3A = arith.constant 0 : i32
    %cond3A_18 = arith.cmpi ne, %convert_element_type3A, %cond3A : i32
    scf.if %cond3A_18 {
      %get3A_121 = arith.constant 0 : index
      %get3A_122 = arith.constant 0 : index
      %get3A_123 = vector.load %arg5[%get3A_121, %get3A_122] : memref<1x1024xf32, #tpu.memory_space<vmem>>, vector<1x1024xf32>
      %add3A_124 = vector.broadcast %get3A_123 : vector<1x1024xf32> to vector<512x1024xf32>
      %add3A_125 = arith.addf %dot_general3A_16, %add3A_124 : vector<512x1024xf32>
      %swap3A = arith.constant 0 : index
      %swap3A_126 = arith.constant 0 : index
      %swap3A_127 = vector.load %arg7[%swap3A, %swap3A_126] : memref<2048x1024xf32, #tpu.memory_space<vmem>>, vector<512x1024xf32>
      tpu.vector_store %arg7[%swap3A, %swap3A_126], %add3A_125 {strides = array<i32>} : memref<2048x1024xf32, #tpu.memory_space<vmem>>, vector<512x1024xf32>,
    } else {
    }
    %gt3A = arith.constant 0 : i32
    %gt3A_19 = arith.cmpi sgt, %arg0, %gt3A : i32
    %convert_element_type3A_20 = arith.extui %gt3A_19 : i1 to i32
    %cond3A_21 = arith.constant 0 : i32
    %cond3A_22 = arith.cmpi ne, %convert_element_type3A_20, %cond3A_21 : i32
    scf.if %cond3A_22 {
      %get3A_121 = arith.constant 0 : index
      %get3A_122 = arith.constant 0 : index
      %get3A_123 = vector.load %arg7[%get3A_121, %get3A_122] : memref<2048x1024xf32, #tpu.memory_space<vmem>>, vector<512x1024xf32>
      %add3A_124 = arith.addf %get3A_123, %dot_general3A_16 : vector<512x1024xf32>
      %swap3A = arith.constant 0 : index
      %swap3A_125 = arith.constant 0 : index
      %swap3A_126 = vector.load %arg7[%swap3A, %swap3A_125] : memref<2048x1024xf32, #tpu.memory_space<vmem>>, vector<512x1024xf32>
      tpu.vector_store %arg7[%swap3A, %swap3A_125], %add3A_124 {strides = array<i32>} : memref<2048x1024xf32, #tpu.memory_space<vmem>>, vector<512x1024xf32>,
    } else {
    }
    %get3A_23 = arith.constant 512 : index
    %get3A_24 = arith.constant 0 : index
    %get3A_25 = vector.load %arg1[%get3A_23, %get3A_24] : memref<2048x1024xf32, #tpu.memory_space<vmem>>, vector<512x1024xf32>
    %get3A_26 = arith.constant 0 : index
    %get3A_27 = arith.constant 0 : index
    %get3A_28 = vector.load %arg2[%get3A_26, %get3A_27] : memref<1024x512xf32, #tpu.memory_space<vmem>>, vector<1024x512xf32>
    %dot_general3A_29 = arith.constant dense<0.000000e+00> : vector<512x512xf32>
    %dot_general3A_30 = tpu.matmul %get3A_25, %get3A_28, %dot_general3A_29 {dimension_numbers = #tpu.dot_dimension_numbers<[1], [0], [0], [1], [0, 0, 1, 1], [], []>, transpose_lhs_hint = false} : vector<512x1024xf32>, vector<1024x512xf32>, vector<512x512xf32> -> vector<512x512xf32>
    %get3A_31 = arith.constant 0 : index
    %get3A_32 = arith.constant 0 : index
    %get3A_33 = vector.load %arg3[%get3A_31, %get3A_32] : memref<1x512xf32, #tpu.memory_space<vmem>>, vector<1x512xf32>
    %add3A_34 = vector.broadcast %get3A_33 : vector<1x512xf32> to vector<512x512xf32>
    %add3A_35 = arith.addf %dot_general3A_30, %add3A_34 : vector<512x512xf32>
    %max3A_36 = arith.constant 0.000000e+00 : f32
    %max3A_37 = vector.broadcast %max3A_36 : f32 to vector<512x512xf32>
    %max3A_38 = arith.maximumf %add3A_35, %max3A_37 : vector<512x512xf32>
    %get3A_39 = arith.constant 0 : index
    %get3A_40 = arith.constant 0 : index
    %get3A_41 = vector.load %arg4[%get3A_39, %get3A_40] : memref<512x1024xf32, #tpu.memory_space<vmem>>, vector<512x1024xf32>
    %dot_general3A_42 = arith.constant dense<0.000000e+00> : vector<512x1024xf32>
    %dot_general3A_43 = tpu.matmul %max3A_38, %get3A_41, %dot_general3A_42 {dimension_numbers = #tpu.dot_dimension_numbers<[1], [0], [0], [1], [0, 0, 1, 1], [], []>, transpose_lhs_hint = false} : vector<512x512xf32>, vector<512x1024xf32>, vector<512x1024xf32> -> vector<512x1024xf32>
    %eq3A_44 = arith.constant 0 : i32
    %eq3A_45 = arith.cmpi eq, %arg0, %eq3A_44 : i32
    %convert_element_type3A_46 = arith.extui %eq3A_45 : i1 to i32
    %cond3A_47 = arith.constant 0 : i32
    %cond3A_48 = arith.cmpi ne, %convert_element_type3A_46, %cond3A_47 : i32
    scf.if %cond3A_48 {
      %get3A_121 = arith.constant 0 : index
      %get3A_122 = arith.constant 0 : index
      %get3A_123 = vector.load %arg5[%get3A_121, %get3A_122] : memref<1x1024xf32, #tpu.memory_space<vmem>>, vector<1x1024xf32>
      %add3A_124 = vector.broadcast %get3A_123 : vector<1x1024xf32> to vector<512x1024xf32>
      %add3A_125 = arith.addf %dot_general3A_43, %add3A_124 : vector<512x1024xf32>
      %swap3A = arith.constant 512 : index
      %swap3A_126 = arith.constant 0 : index
      %swap3A_127 = vector.load %arg7[%swap3A, %swap3A_126] : memref<2048x1024xf32, #tpu.memory_space<vmem>>, vector<512x1024xf32>
      tpu.vector_store %arg7[%swap3A, %swap3A_126], %add3A_125 {strides = array<i32>} : memref<2048x1024xf32, #tpu.memory_space<vmem>>, vector<512x1024xf32>,
    } else {
    }
    %gt3A_49 = arith.constant 0 : i32
    %gt3A_50 = arith.cmpi sgt, %arg0, %gt3A_49 : i32
    %convert_element_type3A_51 = arith.extui %gt3A_50 : i1 to i32
    %cond3A_52 = arith.constant 0 : i32
    %cond3A_53 = arith.cmpi ne, %convert_element_type3A_51, %cond3A_52 : i32
    scf.if %cond3A_53 {
      %get3A_121 = arith.constant 512 : index
      %get3A_122 = arith.constant 0 : index
      %get3A_123 = vector.load %arg7[%get3A_121, %get3A_122] : memref<2048x1024xf32, #tpu.memory_space<vmem>>, vector<512x1024xf32>
      %add3A_124 = arith.addf %get3A_123, %dot_general3A_43 : vector<512x1024xf32>
      %swap3A = arith.constant 512 : index
      %swap3A_125 = arith.constant 0 : index
      %swap3A_126 = vector.load %arg7[%swap3A, %swap3A_125] : memref<2048x1024xf32, #tpu.memory_space<vmem>>, vector<512x1024xf32>
      tpu.vector_store %arg7[%swap3A, %swap3A_125], %add3A_124 {strides = array<i32>} : memref<2048x1024xf32, #tpu.memory_space<vmem>>, vector<512x1024xf32>,
    } else {
    }
    %get3A_54 = arith.constant 1024 : index
    %get3A_55 = arith.constant 0 : index
    %get3A_56 = vector.load %arg1[%get3A_54, %get3A_55] : memref<2048x1024xf32, #tpu.memory_space<vmem>>, vector<512x1024xf32>
    %get3A_57 = arith.constant 0 : index
    %get3A_58 = arith.constant 0 : index
    %get3A_59 = vector.load %arg2[%get3A_57, %get3A_58] : memref<1024x512xf32, #tpu.memory_space<vmem>>, vector<1024x512xf32>
    %dot_general3A_60 = arith.constant dense<0.000000e+00> : vector<512x512xf32>
    %dot_general3A_61 = tpu.matmul %get3A_56, %get3A_59, %dot_general3A_60 {dimension_numbers = #tpu.dot_dimension_numbers<[1], [0], [0], [1], [0, 0, 1, 1], [], []>, transpose_lhs_hint = false} : vector<512x1024xf32>, vector<1024x512xf32>, vector<512x512xf32> -> vector<512x512xf32>
    %get3A_62 = arith.constant 0 : index
    %get3A_63 = arith.constant 0 : index
    %get3A_64 = vector.load %arg3[%get3A_62, %get3A_63] : memref<1x512xf32, #tpu.memory_space<vmem>>, vector<1x512xf32>
    %add3A_65 = vector.broadcast %get3A_64 : vector<1x512xf32> to vector<512x512xf32>
    %add3A_66 = arith.addf %dot_general3A_61, %add3A_65 : vector<512x512xf32>
    %max3A_67 = arith.constant 0.000000e+00 : f32
    %max3A_68 = vector.broadcast %max3A_67 : f32 to vector<512x512xf32>
    %max3A_69 = arith.maximumf %add3A_66, %max3A_68 : vector<512x512xf32>
    %get3A_70 = arith.constant 0 : index
    %get3A_71 = arith.constant 0 : index
    %get3A_72 = vector.load %arg4[%get3A_70, %get3A_71] : memref<512x1024xf32, #tpu.memory_space<vmem>>, vector<512x1024xf32>
    %dot_general3A_73 = arith.constant dense<0.000000e+00> : vector<512x1024xf32>
    %dot_general3A_74 = tpu.matmul %max3A_69, %get3A_72, %dot_general3A_73 {dimension_numbers = #tpu.dot_dimension_numbers<[1], [0], [0], [1], [0, 0, 1, 1], [], []>, transpose_lhs_hint = false} : vector<512x512xf32>, vector<512x1024xf32>, vector<512x1024xf32> -> vector<512x1024xf32>
    %eq3A_75 = arith.constant 0 : i32
    %eq3A_76 = arith.cmpi eq, %arg0, %eq3A_75 : i32
    %convert_element_type3A_77 = arith.extui %eq3A_76 : i1 to i32
    %cond3A_78 = arith.constant 0 : i32
    %cond3A_79 = arith.cmpi ne, %convert_element_type3A_77, %cond3A_78 : i32
    scf.if %cond3A_79 {
      %get3A_121 = arith.constant 0 : index
      %get3A_122 = arith.constant 0 : index
      %get3A_123 = vector.load %arg5[%get3A_121, %get3A_122] : memref<1x1024xf32, #tpu.memory_space<vmem>>, vector<1x1024xf32>
      %add3A_124 = vector.broadcast %get3A_123 : vector<1x1024xf32> to vector<512x1024xf32>
      %add3A_125 = arith.addf %dot_general3A_74, %add3A_124 : vector<512x1024xf32>
      %swap3A = arith.constant 1024 : index
      %swap3A_126 = arith.constant 0 : index
      %swap3A_127 = vector.load %arg7[%swap3A, %swap3A_126] : memref<2048x1024xf32, #tpu.memory_space<vmem>>, vector<512x1024xf32>
      tpu.vector_store %arg7[%swap3A, %swap3A_126], %add3A_125 {strides = array<i32>} : memref<2048x1024xf32, #tpu.memory_space<vmem>>, vector<512x1024xf32>,
    } else {
    }
    %gt3A_80 = arith.constant 0 : i32
    %gt3A_81 = arith.cmpi sgt, %arg0, %gt3A_80 : i32
    %convert_element_type3A_82 = arith.extui %gt3A_81 : i1 to i32
    %cond3A_83 = arith.constant 0 : i32
    %cond3A_84 = arith.cmpi ne, %convert_element_type3A_82, %cond3A_83 : i32
    scf.if %cond3A_84 {
      %get3A_121 = arith.constant 1024 : index
      %get3A_122 = arith.constant 0 : index
      %get3A_123 = vector.load %arg7[%get3A_121, %get3A_122] : memref<2048x1024xf32, #tpu.memory_space<vmem>>, vector<512x1024xf32>
      %add3A_124 = arith.addf %get3A_123, %dot_general3A_74 : vector<512x1024xf32>
      %swap3A = arith.constant 1024 : index
      %swap3A_125 = arith.constant 0 : index
      %swap3A_126 = vector.load %arg7[%swap3A, %swap3A_125] : memref<2048x1024xf32, #tpu.memory_space<vmem>>, vector<512x1024xf32>
      tpu.vector_store %arg7[%swap3A, %swap3A_125], %add3A_124 {strides = array<i32>} : memref<2048x1024xf32, #tpu.memory_space<vmem>>, vector<512x1024xf32>,
    } else {
    }
    %get3A_85 = arith.constant 1536 : index
    %get3A_86 = arith.constant 0 : index
    %get3A_87 = vector.load %arg1[%get3A_85, %get3A_86] : memref<2048x1024xf32, #tpu.memory_space<vmem>>, vector<512x1024xf32>
    %get3A_88 = arith.constant 0 : index
    %get3A_89 = arith.constant 0 : index
    %get3A_90 = vector.load %arg2[%get3A_88, %get3A_89] : memref<1024x512xf32, #tpu.memory_space<vmem>>, vector<1024x512xf32>
    %dot_general3A_91 = arith.constant dense<0.000000e+00> : vector<512x512xf32>
    %dot_general3A_92 = tpu.matmul %get3A_87, %get3A_90, %dot_general3A_91 {dimension_numbers = #tpu.dot_dimension_numbers<[1], [0], [0], [1], [0, 0, 1, 1], [], []>, transpose_lhs_hint = false} : vector<512x1024xf32>, vector<1024x512xf32>, vector<512x512xf32> -> vector<512x512xf32>
    %get3A_93 = arith.constant 0 : index
    %get3A_94 = arith.constant 0 : index
    %get3A_95 = vector.load %arg3[%get3A_93, %get3A_94] : memref<1x512xf32, #tpu.memory_space<vmem>>, vector<1x512xf32>
    %add3A_96 = vector.broadcast %get3A_95 : vector<1x512xf32> to vector<512x512xf32>
    %add3A_97 = arith.addf %dot_general3A_92, %add3A_96 : vector<512x512xf32>
    %max3A_98 = arith.constant 0.000000e+00 : f32
    %max3A_99 = vector.broadcast %max3A_98 : f32 to vector<512x512xf32>
    %max3A_100 = arith.maximumf %add3A_97, %max3A_99 : vector<512x512xf32>
    %get3A_101 = arith.constant 0 : index
    %get3A_102 = arith.constant 0 : index
    %get3A_103 = vector.load %arg4[%get3A_101, %get3A_102] : memref<512x1024xf32, #tpu.memory_space<vmem>>, vector<512x1024xf32>
    %dot_general3A_104 = arith.constant dense<0.000000e+00> : vector<512x1024xf32>
    %dot_general3A_105 = tpu.matmul %max3A_100, %get3A_103, %dot_general3A_104 {dimension_numbers = #tpu.dot_dimension_numbers<[1], [0], [0], [1], [0, 0, 1, 1], [], []>, transpose_lhs_hint = false} : vector<512x512xf32>, vector<512x1024xf32>, vector<512x1024xf32> -> vector<512x1024xf32>
    %eq3A_106 = arith.constant 0 : i32
    %eq3A_107 = arith.cmpi eq, %arg0, %eq3A_106 : i32
    %convert_element_type3A_108 = arith.extui %eq3A_107 : i1 to i32
    %cond3A_109 = arith.constant 0 : i32
    %cond3A_110 = arith.cmpi ne, %convert_element_type3A_108, %cond3A_109 : i32
    scf.if %cond3A_110 {
      %get3A_121 = arith.constant 0 : index
      %get3A_122 = arith.constant 0 : index
      %get3A_123 = vector.load %arg5[%get3A_121, %get3A_122] : memref<1x1024xf32, #tpu.memory_space<vmem>>, vector<1x1024xf32>
      %add3A_124 = vector.broadcast %get3A_123 : vector<1x1024xf32> to vector<512x1024xf32>
      %add3A_125 = arith.addf %dot_general3A_105, %add3A_124 : vector<512x1024xf32>
      %swap3A = arith.constant 1536 : index
      %swap3A_126 = arith.constant 0 : index
      %swap3A_127 = vector.load %arg7[%swap3A, %swap3A_126] : memref<2048x1024xf32, #tpu.memory_space<vmem>>, vector<512x1024xf32>
      tpu.vector_store %arg7[%swap3A, %swap3A_126], %add3A_125 {strides = array<i32>} : memref<2048x1024xf32, #tpu.memory_space<vmem>>, vector<512x1024xf32>,
    } else {
    }
    %gt3A_111 = arith.constant 0 : i32
    %gt3A_112 = arith.cmpi sgt, %arg0, %gt3A_111 : i32
    %convert_element_type3A_113 = arith.extui %gt3A_112 : i1 to i32
    %cond3A_114 = arith.constant 0 : i32
    %cond3A_115 = arith.cmpi ne, %convert_element_type3A_113, %cond3A_114 : i32
    scf.if %cond3A_115 {
      %get3A_121 = arith.constant 1536 : index
      %get3A_122 = arith.constant 0 : index
      %get3A_123 = vector.load %arg7[%get3A_121, %get3A_122] : memref<2048x1024xf32, #tpu.memory_space<vmem>>, vector<512x1024xf32>
      %add3A_124 = arith.addf %get3A_123, %dot_general3A_105 : vector<512x1024xf32>
      %swap3A = arith.constant 1536 : index
      %swap3A_125 = arith.constant 0 : index
      %swap3A_126 = vector.load %arg7[%swap3A, %swap3A_125] : memref<2048x1024xf32, #tpu.memory_space<vmem>>, vector<512x1024xf32>
      tpu.vector_store %arg7[%swap3A, %swap3A_125], %add3A_124 {strides = array<i32>} : memref<2048x1024xf32, #tpu.memory_space<vmem>>, vector<512x1024xf32>,
    } else {
    }
    %eq3A_116 = arith.constant 7 : i32
    %eq3A_117 = arith.cmpi eq, %arg0, %eq3A_116 : i32
    %convert_element_type3A_118 = arith.extui %eq3A_117 : i1 to i32
    %cond3A_119 = arith.constant 0 : i32
    %cond3A_120 = arith.cmpi ne, %convert_element_type3A_118, %cond3A_119 : i32
    scf.if %cond3A_120 {
      %get3A_121 = arith.constant 0 : index
      %get3A_122 = arith.constant 0 : index
      %get3A_123 = vector.load %arg7[%get3A_121, %get3A_122] : memref<2048x1024xf32, #tpu.memory_space<vmem>>, vector<2048x1024xf32>
      %swap3A = arith.constant 0 : index
      %swap3A_124 = arith.constant 0 : index
      %swap3A_125 = vector.load %arg6[%swap3A, %swap3A_124] : memref<2048x1024xf32, #tpu.memory_space<vmem>>, vector<2048x1024xf32>
      tpu.vector_store %arg6[%swap3A, %swap3A_124], %get3A_123 {strides = array<i32>} : memref<2048x1024xf32, #tpu.memory_space<vmem>>, vector<2048x1024xf32>,
    } else {
    }
    return
  }
  func.func @transform_0(%arg0: i32) -> (i32, i32) {
    %c0_i32 = arith.constant 0 : i32
    %c0_i32_0 = arith.constant 0 : i32
    %c0_i32_1 = arith.constant 0 : i32
    return %c0_i32, %c0_i32_0 : i32, i32
  }
  func.func @transform_1(%arg0: i32) -> (i32, i32) {
    %c0_i32 = arith.constant 0 : i32
    %c0_i32_0 = arith.constant 0 : i32
    return %c0_i32, %arg0 : i32, i32
  }
  func.func @transform_2(%arg0: i32) -> (i32, i32) {
    %c0_i32 = arith.constant 0 : i32
    %c0_i32_0 = arith.constant 0 : i32
    return %c0_i32, %arg0 : i32, i32
  }
  func.func @transform_3(%arg0: i32) -> (i32, i32) {
    %c0_i32 = arith.constant 0 : i32
    %c0_i32_0 = arith.constant 0 : i32
    return %arg0, %c0_i32 : i32, i32
  }
  func.func @transform_4(%arg0: i32) -> (i32, i32) {
    %c0_i32 = arith.constant 0 : i32
    %c0_i32_0 = arith.constant 0 : i32
    %c0_i32_1 = arith.constant 0 : i32
    return %c0_i32, %c0_i32_0 : i32, i32
  }
  func.func @transform_5(%arg0: i32) -> (i32, i32) {
    %c0_i32 = arith.constant 0 : i32
    %c0_i32_0 = arith.constant 0 : i32
    %c0_i32_1 = arith.constant 0 : i32
    return %c0_i32, %c0_i32_0 : i32, i32
  }
}

module attributes {stable_mosaic.version = 14 : i64} {
  func.func @_kf_body(%arg0: i32, %arg1: memref<256x1024xf32, #tpu.memory_space<vmem>>, %arg2: memref<256x1024xf32, #tpu.memory_space<vmem>>, %arg3: memref<256x1024xf32, #tpu.memory_space<vmem>>, %arg4: memref<256x1xf32, #tpu.memory_space<vmem>>, %arg5: memref<256x1xf32, #tpu.memory_space<vmem>>, %arg6: memref<256x1xf32, #tpu.memory_space<vmem>>, %arg7: memref<256x1xf32, #tpu.memory_space<vmem>>, %arg8: memref<1024x128xf32, #tpu.memory_space<vmem>>, %arg9: memref<1x128xf32, #tpu.memory_space<vmem>>, %arg10: memref<256x128xf32, #tpu.memory_space<vmem>>) attributes {dimension_semantics = [#tpu.dimension_semantics<arbitrary>], iteration_bounds = array<i64: 8>, scalar_prefetch = 0 : i64, scratch_operands = 0 : i64, tpu.core_type = #tpu.core_type<tc>, window_params = [{transform_indices = @transform_0, window_bounds = array<i64: 256, 1024>}, {transform_indices = @transform_1, window_bounds = array<i64: 256, 1024>}, {transform_indices = @transform_2, window_bounds = array<i64: 256, 1024>}, {transform_indices = @transform_3, window_bounds = array<i64: 256, 1>}, {transform_indices = @transform_4, window_bounds = array<i64: 256, 1>}, {transform_indices = @transform_5, window_bounds = array<i64: 256, 1>}, {transform_indices = @transform_6, window_bounds = array<i64: 256, 1>}, {pipeline_mode = #tpu.pipeline_mode<synchronous>, transform_indices = @transform_7, window_bounds = array<i64: 1024, 128>}, {pipeline_mode = #tpu.pipeline_mode<synchronous>, transform_indices = @transform_8, window_bounds = array<i64: 1, 128>}, {transform_indices = @transform_9, window_bounds = array<i64: 256, 128>}]} {
    %get3A = arith.constant 0 : index
    %get3A_0 = arith.constant 0 : index
    %get3A_1 = vector.load %arg2[%get3A, %get3A_0] : memref<256x1024xf32, #tpu.memory_space<vmem>>, vector<256x1024xf32>
    %get3A_2 = arith.constant 0 : index
    %get3A_3 = arith.constant 0 : index
    %get3A_4 = vector.load %arg4[%get3A_2, %get3A_3] : memref<256x1xf32, #tpu.memory_space<vmem>>, vector<256x1xf32>
    %mul3A = vector.broadcast %get3A_4 : vector<256x1xf32> to vector<256x1024xf32>
    %mul3A_5 = arith.mulf %get3A_1, %mul3A : vector<256x1024xf32>
    %get3A_6 = arith.constant 0 : index
    %get3A_7 = arith.constant 0 : index
    %get3A_8 = vector.load %arg3[%get3A_6, %get3A_7] : memref<256x1024xf32, #tpu.memory_space<vmem>>, vector<256x1024xf32>
    %get3A_9 = arith.constant 0 : index
    %get3A_10 = arith.constant 0 : index
    %get3A_11 = vector.load %arg5[%get3A_9, %get3A_10] : memref<256x1xf32, #tpu.memory_space<vmem>>, vector<256x1xf32>
    %mul3A_12 = vector.broadcast %get3A_11 : vector<256x1xf32> to vector<256x1024xf32>
    %mul3A_13 = arith.mulf %get3A_8, %mul3A_12 : vector<256x1024xf32>
    %add3A = arith.addf %mul3A_5, %mul3A_13 : vector<256x1024xf32>
    %get3A_14 = arith.constant 0 : index
    %get3A_15 = arith.constant 0 : index
    %get3A_16 = vector.load %arg6[%get3A_14, %get3A_15] : memref<256x1xf32, #tpu.memory_space<vmem>>, vector<256x1xf32>
    %mul3A_17 = vector.broadcast %get3A_16 : vector<256x1xf32> to vector<256x1024xf32>
    %mul3A_18 = arith.mulf %add3A, %mul3A_17 : vector<256x1024xf32>
    %get3A_19 = arith.constant 0 : index
    %get3A_20 = arith.constant 0 : index
    %get3A_21 = vector.load %arg1[%get3A_19, %get3A_20] : memref<256x1024xf32, #tpu.memory_space<vmem>>, vector<256x1024xf32>
    %get3A_22 = arith.constant 0 : index
    %get3A_23 = arith.constant 0 : index
    %get3A_24 = vector.load %arg7[%get3A_22, %get3A_23] : memref<256x1xf32, #tpu.memory_space<vmem>>, vector<256x1xf32>
    %mul3A_25 = vector.broadcast %get3A_24 : vector<256x1xf32> to vector<256x1024xf32>
    %mul3A_26 = arith.mulf %get3A_21, %mul3A_25 : vector<256x1024xf32>
    %add3A_27 = arith.addf %mul3A_18, %mul3A_26 : vector<256x1024xf32>
    %get3A_28 = arith.constant 0 : index
    %get3A_29 = arith.constant 0 : index
    %get3A_30 = vector.load %arg8[%get3A_28, %get3A_29] : memref<1024x128xf32, #tpu.memory_space<vmem>>, vector<1024x128xf32>
    %dot_general3A = arith.constant dense<0.000000e+00> : vector<256x128xf32>
    %dot_general3A_31 = tpu.matmul %add3A_27, %get3A_30, %dot_general3A {dimension_numbers = #tpu.dot_dimension_numbers<[1], [0], [0], [1], [0, 0, 1, 1], [], []>, transpose_lhs_hint = false} : vector<256x1024xf32>, vector<1024x128xf32>, vector<256x128xf32> -> vector<256x128xf32>
    %get3A_32 = arith.constant 0 : index
    %get3A_33 = arith.constant 0 : index
    %get3A_34 = vector.load %arg9[%get3A_32, %get3A_33] : memref<1x128xf32, #tpu.memory_space<vmem>>, vector<1x128xf32>
    %add3A_35 = vector.broadcast %get3A_34 : vector<1x128xf32> to vector<256x128xf32>
    %add3A_36 = arith.addf %dot_general3A_31, %add3A_35 : vector<256x128xf32>
    %swap3A = arith.constant 0 : index
    %swap3A_37 = arith.constant 0 : index
    %swap3A_38 = vector.load %arg10[%swap3A, %swap3A_37] : memref<256x128xf32, #tpu.memory_space<vmem>>, vector<256x128xf32>
    tpu.vector_store %arg10[%swap3A, %swap3A_37], %add3A_36 {strides = array<i32>} : memref<256x128xf32, #tpu.memory_space<vmem>>, vector<256x128xf32>,
    return
  }
  func.func @transform_0(%arg0: i32) -> (i32, i32) {
    %c0_i32 = arith.constant 0 : i32
    %c0_i32_0 = arith.constant 0 : i32
    return %arg0, %c0_i32 : i32, i32
  }
  func.func @transform_1(%arg0: i32) -> (i32, i32) {
    %c0_i32 = arith.constant 0 : i32
    %c0_i32_0 = arith.constant 0 : i32
    return %arg0, %c0_i32 : i32, i32
  }
  func.func @transform_2(%arg0: i32) -> (i32, i32) {
    %c0_i32 = arith.constant 0 : i32
    %c0_i32_0 = arith.constant 0 : i32
    return %arg0, %c0_i32 : i32, i32
  }
  func.func @transform_3(%arg0: i32) -> (i32, i32) {
    %c0_i32 = arith.constant 0 : i32
    %c0_i32_0 = arith.constant 0 : i32
    return %arg0, %c0_i32 : i32, i32
  }
  func.func @transform_4(%arg0: i32) -> (i32, i32) {
    %c0_i32 = arith.constant 0 : i32
    %c0_i32_0 = arith.constant 0 : i32
    return %arg0, %c0_i32 : i32, i32
  }
  func.func @transform_5(%arg0: i32) -> (i32, i32) {
    %c0_i32 = arith.constant 0 : i32
    %c0_i32_0 = arith.constant 0 : i32
    return %arg0, %c0_i32 : i32, i32
  }
  func.func @transform_6(%arg0: i32) -> (i32, i32) {
    %c0_i32 = arith.constant 0 : i32
    %c0_i32_0 = arith.constant 0 : i32
    return %arg0, %c0_i32 : i32, i32
  }
  func.func @transform_7(%arg0: i32) -> (i32, i32) {
    %c0_i32 = arith.constant 0 : i32
    %c0_i32_0 = arith.constant 0 : i32
    %c0_i32_1 = arith.constant 0 : i32
    return %c0_i32, %c0_i32_0 : i32, i32
  }
  func.func @transform_8(%arg0: i32) -> (i32, i32) {
    %c0_i32 = arith.constant 0 : i32
    %c0_i32_0 = arith.constant 0 : i32
    %c0_i32_1 = arith.constant 0 : i32
    return %c0_i32, %c0_i32_0 : i32, i32
  }
  func.func @transform_9(%arg0: i32) -> (i32, i32) {
    %c0_i32 = arith.constant 0 : i32
    %c0_i32_0 = arith.constant 0 : i32
    return %arg0, %c0_i32 : i32, i32
  }
}

</mosaic_0001>

<sc_bundles>
// kernel: kernel.11.cloned.1.call-start
scs
__scs_entry_jumppad:
0x0: {  	(pc) =	sbr.rel $0x88, $3  }
0x1: {  	(tag) =	ssettag $0x0;
	lr =	simm.s32 $0x1  }
0x2: {  	[smem:$0x3F91] =	sst lr;
	_ =	strace $0xD0000000  }
0x3: {  	_ = 	snop  }
0x4: {  	_ = 	snop  }
0x5: {  	_ = 	snop  }
0x6: {  	_ = 	snop  }
0x7: {  	_ = 	snop  }
__scs_overlays_trampoline_lowered:
0x8: {  	[smem:$0x3FA0] =	sst s0  }
0x9: {  	[smem:$0x3FA1] =	sst s1  }
0xa: {  	[smem:$0x3FA2] =	sst s2  }
0xb: {  	[smem:$0x3FA3] =	sst s3  }
0xc: {  	[smem:$0x3FA4] =	sst s4  }
0xd: {  	[smem:$0x3FA5] =	sst s5  }
0xe: {  	[smem:$0x3FA6] =	sst s6  }
0xf: {  	[smem:$0x3FA7] =	sst s7  }
0x10: {  	[smem:$0x3FA8] =	sst s8  }
0x11: {  	[smem:$0x3FA9] =	sst s9;
	s0 =	simm.s32 @!p0 $0x0  }
0x12: {  	s1 =	sld [smem:$0x3F8F];
	s0 =	simm.s32 @p0 $0x1  }
0x13: {  	[smem:$0x3FAA] =	sst s0;
	s0 =	simm.s32 @!p1 $0x0  }
0x14: {  	s2 =	sld [smem:$0x3F8E];
	s0 =	simm.s32 @p1 $0x1  }
0x15: {  	[smem:$0x3FAB] =	sst s0;
	s0 =	simm.s32 @!p2 $0x0  }
0x16: {  	s3 =	sld [smem:$0x3FDB];
	s0 =	simm.s32 @p2 $0x1  }
0x17: {  	s4 =	simm.s32 $0x1BF5;
	[smem:$0x3FAD] =	sst s0  }
0x18: {  	s0 =	sld [smem:$0x3F90];
	_ =	swait.ge [sflag:s4], $0x0  }
0x19: {  	s7 =	sld [smem:$0x3F91]  }
0x1a: {  	s8 =	sadd.s32 $0xFFFFE003, lr  }
0x1b: {  	s9 =	sadd.s32 $0xFFFFFEF7, lr;
	s5 =	simm.s32 $0xFFFFFFFF;
	p2 =	slt.u32 s8, $0xFFFFF086  }
0x1c: {  	p1 =	slt.u32 s9, $0xF7A;
	s5 =	simm.s32 @!p2 $0x0  }
0x1d: {  	s5 =	simm.s32 @p1 $0x1;
	p0 =	seq.s32 s7, s2  }
0x1e: {  	s7 =	smul.u32 @!p0 $0xF7A, s2;
	p2 =	seq.s32 @!p0 s5, $0x0  }
0x1f: {  	s9 =	smul.u32 $0xF7A, s1;
	s8 =	simm.s32 @!p0 $0x1BF5;
	p2 =	por !p2, p0  }
0x20: {  	[sflag:s8] =	ssyncset.s32 @!p0 $0xFFFFF086;
	s6 =	sadd.s32 @!p0 s3, s7;
	s7 =	simm.s32 @!p0 $0x108  }
0x21: {  	s3 =	sadd.s32 s3, s9;
	s6 =	sadd.s32 @!p0 $0x88, s6;
	s7 =	simm.s32 @p2 $0x1082  }
0x22: {  	[simem:s7], [sflag:s8] =	dma.local @!p0 [hbm:s6], $0xF7A  }
0x23: {  	s9 =	sor.u32 $0xD0000000, s2;
	s6 =	simm.s32 $0x108;
	_ =	swait.ge @!p0 [sflag:s8], $0x0  }
0x24: {  	s3 =	sadd.s32 $0x88, s3;
	s6 =	simm.s32 @!p1 $0x1082;
	[sflag:s4] =	ssyncset.s32 $0xFFFFF086  }
0x25: {  	[simem:s6], [sflag:s4] =	dma.local [hbm:s3], $0xF7A  }
0x26: {  	[smem:$0x3F91] =	sst s1;
	(tag) =	ssettag s2;
	_ =	strace s9  }
0x27: {  	s1 =	sld [smem:$0x3FA1]  }
0x28: {  	s2 =	sld [smem:$0x3FA2]  }
0x29: {  	s4 =	sld [smem:$0x3FA4]  }
0x2a: {  	p0 =	seq.s32 s5, $0x0;
	s5 =	sld [smem:$0x3FA5]  }
0x2b: {  	s6 =	sld [smem:$0x3FA6]  }
0x2c: {  	s7 =	sld [smem:$0x3FA7]  }
0x2d: {  	s3 =	simm.s32 $0x108;
	s8 =	sld [smem:$0x3FA8]  }
0x2e: {  	s3 =	simm.s32 @!p0 $0x1082;
	s9 =	sld [smem:$0x3FA9]  }
0x2f: {  	lr =	sadd.s32 s0, s3;
	s0 =	sld [smem:$0x3FA0]  }
0x30: {  	s3 =	sld [smem:$0x3FA3]  }
0x31: {  	[smem:$0x3FAC] =	sst s10  }
0x32: {  	s10 =	sld [smem:$0x3FAA];
	_ =	sdelay $0x3  }
0x33: {  	p0 =	seq.s32 s10, $0x1;
	s10 =	sld [smem:$0x3FAC];
	_ =	sdelay $0x3  }
0x34: {  	[smem:$0x3FAC] =	sst s10  }
0x35: {  	s10 =	sld [smem:$0x3FAB];
	_ =	sdelay $0x3  }
0x36: {  	p1 =	seq.s32 s10, $0x1;
	s10 =	sld [smem:$0x3FAC];
	_ =	sdelay $0x3  }
0x37: {  	[smem:$0x3FAC] =	sst s10  }
0x38: {  	s10 =	sld [smem:$0x3FAD]  }
0x39: {  	_ = 	snop;
	(pc) =	sbr.ind lr, $3  }
0x3a: {  	_ = 	snop  }
0x3b: {  	_ = 	snop  }
0x3c: {  	p2 =	seq.s32 s10, $0x1;
	s10 =	sld [smem:$0x3FAC]  }
0x3d: {  	_ =	shalt  }
0x3e: {  	_ =	shalt  }
0x3f: {  	_ =	shalt  }
0x40: {  	_ =	shalt  }
0x41: {  	_ =	shalt  }
0x42: {  	_ =	shalt  }
0x43: {  	_ =	shalt  }
0x44: {  	_ =	shalt  }
0x45: {  	_ =	shalt  }
0x46: {  	_ =	shalt  }
0x47: {  	_ =	shalt  }
0x48: {  	_ =	shalt  }
0x49: {  	_ =	shalt  }
0x4a: {  	_ =	shalt  }
0x4b: {  	_ =	shalt  }
0x4c: {  	_ =	shalt  }
0x4d: {  	_ =	shalt  }
0x4e: {  	_ =	shalt  }
0x4f: {  	_ =	shalt  }
0x50: {  	_ =	shalt  }
0x51: {  	_ =	shalt  }
0x52: {  	_ =	shalt  }
0x53: {  	_ =	shalt  }
0x54: {  	_ =	shalt  }
0x55: {  	_ =	shalt  }
0x56: {  	_ =	shalt  }
0x57: {  	_ =	shalt  }
0x58: {  	_ =	shalt  }
0x59: {  	_ =	shalt  }
0x5a: {  	_ =	shalt  }
0x5b: {  	_ =	shalt  }
0x5c: {  	_ =	shalt  }
0x5d: {  	_ =	shalt  }
0x5e: {  	_ =	shalt  }
0x5f: {  	_ =	shalt  }
0x60: {  	_ =	shalt  }
0x61: {  	_ =	shalt  }
0x62: {  	_ =	shalt  }
0x63: {  	_ =	shalt  }
0x64: {  	_ =	shalt  }
0x65: {  	_ =	shalt  }
0x66: {  	_ =	shalt  }
0x67: {  	_ =	shalt  }
0x68: {  	_ =	shalt  }
0x69: {  	_ =	shalt  }
0x6a: {  	_ =	shalt  }
0x6b: {  	_ =	shalt  }
0x6c: {  	_ =	shalt  }
0x6d: {  	_ =	shalt  }
0x6e: {  	_ =	shalt  }
0x6f: {  	_ =	shalt  }
0x70: {  	_ =	shalt  }
0x71: {  	_ =	shalt  }
0x72: {  	_ =	shalt  }
0x73: {  	_ =	shalt  }
0x74: {  	_ =	shalt  }
0x75: {  	_ =	shalt  }
0x76: {  	_ =	shalt  }
0x77: {  	_ =	shalt  }
0x78: {  	_ =	shalt  }
0x79: {  	_ =	shalt  }
0x7a: {  	_ =	shalt  }
0x7b: {  	_ =	shalt  }
0x7c: {  	_ =	shalt  }
0x7d: {  	_ =	shalt  }
0x7e: {  	_ =	shalt  }
0x7f: {  	_ =	shalt  }
0x80: {  	_ =	shalt  }
0x81: {  	_ =	shalt  }
0x82: {  	_ =	shalt  }
0x83: {  	_ =	shalt  }
0x84: {  	_ =	shalt  }
0x85: {  	_ =	shalt  }
0x86: {  	_ =	shalt  }
0x87: {  	_ =	shalt  }
.Lfunc_end0:
.L_simem_size_0:
called_computation.1_lowered:
.L_overlay_start_0:
0x88: {  	s2 =	sld [smem:$0x3FD9]  }
0x89: {  	s3 =	sld [smem:$0x3FFE];
	_ =	sdelay $0x1  }
0x8a: {  	s1 =	srdreg.scid  }
0x8b: {  	s0 =	sand.u32 $0x1, s1  }
0x8c: {  	s16 =	sshll.u32 s0, $0xA;
	s2 =	sadd.s32 s3, s2  }
0x8d: {  	s2 =	sadd.s32 s2, s16  }
0x8e: {  	[smem:$0x3FB8] =	sst s2  }
0x8f: {  	_ = 	snop  }
0x90: {  	(tm) =	ssettm $0x1  }
0x91: {  	s17 =	sld [smem:$0x3FFB];
	_ =	sdelay $0x3  }
0x92: {  	_ =	strace s17  }
0x93: {  	s2 =	sld [smem:$0x3FFC];
	_ =	sdelay $0x3  }
0x94: {  	_ =	strace s2  }
0x95: {  	s2 =	sld [smem:$0x3FFD];
	_ =	sdelay $0x3  }
0x96: {  	_ =	strace s2  }
0x97: {  	_ =	strace $0x8FFFFFFF  }
0x98: {  	s18 =	sld [smem:$0x3FDB];
	_ =	sdelay $0x1  }
0x99: {  	s19 =	simm.s32 $_scs_section_size  }
0x9a: {  	s4 =	simm.s32 $_size__tile_overlayer_lowered;
	s5 =	simm.s32 $_tile_overlayer_lowered  }
0x9b: {  	s22 =	simm.s32 $0x1BFF;
	s21 =	sshll.u32 s5, $0x1;
	s2 =	sadd.s32 s19, s18  }
0x9c: {  	s6 =	simm.s32 $0x0;
	s20 =	sshll.u32 s4, $0x1;
	s4 =	sadd.s32 s21, s2  }
0x9d: {  	[timem:s6], [sflag:s22] =	dma.local [hbm:s4], s20  }
0x9e: {  	_ =	swait.ge [sflag:s22], s20  }
0x9f: {  	s3 =	ssub.s32 $0x0, s20;
	[sflag:s22] =	ssyncset.done $0x0  }
0xa0: {  	[sflag:s22] =	ssyncadd.s32 s3;
	_ =	sdelay $0x1  }
0xa1: {  	s23 =	simm.s32 $0x1B8B  }
0xa2: {  	_ =	swait.ge [sflag:s23], $0x1  }
0xa3: {  	[sflag:s23] =	ssyncset.done $0x0  }
0xa4: {  	s25 =	simm.s32 $0x1B8E;
	s24 =	sld [smem:$0x3FFE];
	[sflag:s23] =	ssyncadd.s32 $0xFFFFFFFF  }
0xa5: {  	s26 =	simm.s32 $execute0_lowered;
	[smem:$0x3FD2] =	sst s25  }
0xa6: {  	s4 =	sshll.u32 s26, $0x1;
	_ =	strace $0x80000049;
	[dreg:$0x1] =	wrdreg $0xFFFFFFFF  }
0xa7: {  	s28 =	simm.s32 $_size_execute0_lowered;
	s2 =	sadd.s32 s2, s4;
	[dreg:$0x0] =	wrdreg $0x0  }
0xa8: {  	s4 =	sshll.u32 s28, $0x1;
	[dreg:$0x2] =	wrdreg s2  }
0xa9: {  	[dreg:$0x3] =	wrdreg s4  }
0xaa: {  	[dreg:$0x4] =	wrdreg $0xC0  }
0xab: {  	_ =	task [dreg:s6], $0x5FFFF  }
0xac: {  	[dreg:$0x1] =	wrdreg $0xFFFFFFFF  }
0xad: {  	[dreg:$0x0] =	wrdreg $0x60  }
0xae: {  	[dreg:$0x2] =	wrdreg s24  }
0xaf: {  	[dreg:$0x3] =	wrdreg $0x9  }
0xb0: {  	_ =	task.clear_ibuf [dreg:s6], $0x4FFFF;
	_ =	strace $0x90000049  }
0xb1: {  	s29 =	simm.s32 $0x9;
	_ =	strace $0x8000004B  }
0xb2: {  	_ =	swait.ge [sflag:s29], $0x1  }
0xb3: {  	[sflag:s29] =	ssyncadd.s32 $0xFFFFFFFF  }
0xb4: {  	_ =	strace $0x9000004B  }
0xb5: {  	_ =	sfence  }
0xb6: {  	s30 =	sld [smem:$0x0];
	_ =	sdelay $0x2  }
0xb7: {  	s31 =	sshll.u32 s1, $0xD;
	s1 =	sshrl.u32 s1, $0x2  }
0xb8: {  	s3 =	sand.u32 $0x4000, s31;
	s1 =	sadd.s32 s1, s30  }
0xb9: {  	s0 =	sor.u32 s3, s0;
	s1 =	sshll.u32 s1, $0x11  }
0xba: {  	s0 =	sor.u32 s1, s0  }
0xbb: {  	s0 =	sadd.s32 $0x8F2B, s0  }
0xbc: {  	[sflag:s0] =	ssyncadd.remote.s32 $0x1  }
0xbd: {  	_ =	sfence.sel $0xFFFF  }
0xbe: {  	[dreg:$0x0] =	wrdreg $0xFFFFFFFF;
	(pc) =	sbr.abs _section_cstart, $3  }
0xbf: {  	[dreg:$0x1] =	wrdreg $0xFFFFFFFF  }
0xc0: {  	_ =	task.clear_ibuf [dreg:s6], $0x2FFFF;
	_ =	strace $0x9FFFFFFF  }
0xc1: {  	(tm) =	ssettm $0x7FFFFFFF  }
tec
execute0_lowered:
.L_overlay_start_1:
0x0: {  	(tag) =	ssettag $0x1  }
0x1: {  	s0 =	rddreg [dreg:$0x0]  }
0x2: {  	s2 =	simm.s32 $0x0;
	s1 =	srdreg.scid;
	s3 =	stileid.u32  }
0x3: {  	s18 =	simm.s32 $0x1;
	s20 =	simm.s32 $0x880;
	s21 =	simm.s32 $0x1080  }
0x4: {  	s22 =	simm.s32 $0x1880;
	s28 =	simm.s32 $0x4080;
	s29 =	simm.s32 $0x4880  }
0x5: {  	s30 =	simm.s32 $0x5080;
	s31 =	simm.s32 $0x5880;
	s10 =	simm.s32 $0x7080  }
0x6: {  	s11 =	simm.s32 $0x7880;
	s12 =	simm.s32 $0x8080;
	s13 =	simm.s32 $0x8880  }
0x7: {  	s14 =	simm.s32 $0x9080;
	s15 =	simm.s32 $0x9880;
	s16 =	simm.s32 $0xA080  }
0x8: {  	s17 =	simm.s32 $0xA880;
	s9 =	simm.s32 $0xB080;
	[smem:$0x7FF] =	sst s2  }
0x9: {  	s1 =	sand.u32 $0x1, s1;
	s3 =	sshll.u32 s3, $0x1;
	_ =	strace $0x8000004A  }
0xa: {  	s4 =	sor.u32 s1, s3;
	s3 =	sadd.s32 $0x60E00, s0;
	s1 =	ssub.s32 $0x2, s1  }
0xb: {  	s5 =	sshll.u32 s4, $0x4;
	s4 =	sshll.u32 s4, $0xD;
	s23 =	sshrl.u32 s1, $0x1  }
0xc: {  	s6 =	sadd.s32 s5, s0;
	s7 =	sadd.s32 s4, s0;
	s1 =	ssub.s32 s1, s23  }
0xd: {  	s4 =	sadd.s32 $0x60F00, s0;
	s5 =	sadd.s32 $0x61000, s0;
	s24 =	sadd.s32 $0x101C00, s6  }
0xe: {  	s23 =	simm.s32 $0x2080;
	s8 =	sadd.s32 $0x101E00, s7;
	[dreg:$0x2] =	wrdreg s24  }
0xf: {  	s25 =	sadd.s32 $0x101A00, s6;
	s6 =	sadd.s32 $0x61100, s0;
	[dreg:$0x3] =	wrdreg s8  }
0x10: {  	v2 =	vlaneseq.u32;
	s26 =	sadd.s32 $0x141E00, s7;
	s7 =	smax.u32 s1, $0x1;
	[dreg:$0x4] =	wrdreg s25  }
0x11: {  	vm0 =	vmmov $0xffff;
	v1 =	vshrl.u32 v2, $0x3;
	s0 =	simm.s32 $0x80;
	[dreg:$0x5] =	wrdreg s26;
	s8 =	simm.s32 $0x2  }
0x12: {  	v0 =	vand.u32 $0x7, v2;
	v2 =	vor.u32 $0x8, v2;
	v1 =	vmul.u32 $0x8, v1;
	s24 =	simm.s32 $0x2880;
	s25 =	simm.s32 $0x3080;
	s26 =	simm.s32 $0x3880  }
.LBB2_1:
0x13: {  	s19 =	rddreg [dreg:$0x2]  }
0x14: {  	[tilespmem:s2], [sflag:$0x2] =	stream.linear.gather [hbm4b:s19+s2], $0x80, $0x38;
	[tilespmem:$0x10080] =	vst v63  }
0x15: {  	_ =	swait.ge [sflag:s8], $0x80  }
0x16: {  	[sflag:s8] =	ssyncset.done $0x0  }
0x17: {  	[sflag:s8] =	ssyncadd.s32 $0xFFFFFF80  }
0x18: {  	v3 =	vld [tilespmem:$0x0];
	_ =	sdelay $0x4  }
0x19: {  	v4 =	vshll.u32 v3, $0x3  }
0x1a: {  	v3 =	vand.u32 $0x7, v3;
	v4 =	vand.u32 $0xFFFFFFC0, v4  }
0x1b: {  	v3 =	vor.u32 v3, v4  }
0x1c: {  	v4 =	vperm.xlane v3, v0;
	_ =	sdelay $0x1  }
0x1d: {  	v4 =	vadd.s32 v1, v4;
	_ =	sdelay $0x4  }
0x1e: {  	[tilespmem:s0], [sflag:$0x1] =	stream.indirect_vreg.gather [hbm4b:s3+s2], $0x80, v4, vm0, $0xb8;
	[tilespmem:$0x10080] =	vst v63  }
0x1f: {  	v3 =	vperm.xlane v3, v2  }
0x20: {  	[tilespmem:s20], [sflag:$0x1] =	stream.indirect_vreg.gather [hbm4b:s4+s2], $0x80, v4, vm0, $0xb8;
	[tilespmem:$0x10080] =	vst v63  }
0x21: {  	v3 =	vadd.s32 v1, v3  }
0x22: {  	[tilespmem:s21], [sflag:$0x1] =	stream.indirect_vreg.gather [hbm4b:s5+s2], $0x80, v4, vm0, $0xb8;
	[tilespmem:$0x10080] =	vst v63  }
0x23: {  	_ = 	snop  }
0x24: {  	[tilespmem:s22], [sflag:$0x1] =	stream.indirect_vreg.gather [hbm4b:s6+s2], $0x80, v4, vm0, $0xb8;
	[tilespmem:$0x10080] =	vst v63  }
0x25: {  	_ = 	snop  }
0x26: {  	[tilespmem:s23], [sflag:$0x1] =	stream.indirect_vreg.gather [hbm4b:s3+s2], $0x80, v3, vm0, $0xb8;
	[tilespmem:$0x10080] =	vst v63  }
0x27: {  	_ = 	snop  }
0x28: {  	[tilespmem:s24], [sflag:$0x1] =	stream.indirect_vreg.gather [hbm4b:s4+s2], $0x80, v3, vm0, $0xb8;
	[tilespmem:$0x10080] =	vst v63  }
0x29: {  	_ = 	snop  }
0x2a: {  	[tilespmem:s25], [sflag:$0x1] =	stream.indirect_vreg.gather [hbm4b:s5+s2], $0x80, v3, vm0, $0xb8;
	[tilespmem:$0x10080] =	vst v63  }
0x2b: {  	_ = 	snop  }
0x2c: {  	[tilespmem:s26], [sflag:$0x1] =	stream.indirect_vreg.gather [hbm4b:s6+s2], $0x80, v3, vm0, $0xb8;
	[tilespmem:$0x10080] =	vst v63  }
0x2d: {  	v3 =	vld [tilespmem:$0x10];
	_ =	sdelay $0x4  }
0x2e: {  	v57 =	vshll.u32 v3, $0x3  }
0x2f: {  	v3 =	vand.u32 $0x7, v3;
	v4 =	vand.u32 $0xFFFFFFC0, v57  }
0x30: {  	v3 =	vor.u32 v3, v4  }
0x31: {  	v4 =	vperm.xlane v3, v0;
	_ =	sdelay $0x1  }
0x32: {  	v4 =	vadd.s32 v1, v4;
	_ =	sdelay $0x4  }
0x33: {  	[tilespmem:s28], [sflag:$0x1] =	stream.indirect_vreg.gather [hbm4b:s3+s2], $0x80, v4, vm0, $0xb8;
	[tilespmem:$0x10080] =	vst v63  }
0x34: {  	v3 =	vperm.xlane v3, v2  }
0x35: {  	[tilespmem:s29], [sflag:$0x1] =	stream.indirect_vreg.gather [hbm4b:s4+s2], $0x80, v4, vm0, $0xb8;
	[tilespmem:$0x10080] =	vst v63  }
0x36: {  	v3 =	vadd.s32 v1, v3  }
0x37: {  	[tilespmem:s30], [sflag:$0x1] =	stream.indirect_vreg.gather [hbm4b:s5+s2], $0x80, v4, vm0, $0xb8;
	[tilespmem:$0x10080] =	vst v63  }
0x38: {  	_ = 	snop  }
0x39: {  	[tilespmem:s31], [sflag:$0x1] =	stream.indirect_vreg.gather [hbm4b:s6+s2], $0x80, v4, vm0, $0xb8;
	[tilespmem:$0x10080] =	vst v63  }
0x3a: {  	s1 =	simm.s32 $0x6080  }
0x3b: {  	[tilespmem:s1], [sflag:$0x1] =	stream.indirect_vreg.gather [hbm4b:s3+s2], $0x80, v3, vm0, $0xb8;
	[tilespmem:$0x10080] =	vst v63  }
0x3c: {  	s1 =	simm.s32 $0x6880  }
0x3d: {  	[tilespmem:s1], [sflag:$0x1] =	stream.indirect_vreg.gather [hbm4b:s4+s2], $0x80, v3, vm0, $0xb8;
	[tilespmem:$0x10080] =	vst v63  }
0x3e: {  	_ = 	snop  }
0x3f: {  	[tilespmem:s10], [sflag:$0x1] =	stream.indirect_vreg.gather [hbm4b:s5+s2], $0x80, v3, vm0, $0xb8;
	[tilespmem:$0x10080] =	vst v63  }
0x40: {  	_ = 	snop  }
0x41: {  	[tilespmem:s11], [sflag:$0x1] =	stream.indirect_vreg.gather [hbm4b:s6+s2], $0x80, v3, vm0, $0xb8;
	[tilespmem:$0x10080] =	vst v63  }
0x42: {  	v3 =	vld [tilespmem:$0x20];
	_ =	sdelay $0x4  }
0x43: {  	v58 =	vshll.u32 v3, $0x3  }
0x44: {  	v3 =	vand.u32 $0x7, v3;
	v4 =	vand.u32 $0xFFFFFFC0, v58  }
0x45: {  	v3 =	vor.u32 v3, v4  }
0x46: {  	v4 =	vperm.xlane v3, v0;
	_ =	sdelay $0x1  }
0x47: {  	v4 =	vadd.s32 v1, v4;
	_ =	sdelay $0x4  }
0x48: {  	[tilespmem:s12], [sflag:$0x1] =	stream.indirect_vreg.gather [hbm4b:s3+s2], $0x80, v4, vm0, $0xb8;
	[tilespmem:$0x10080] =	vst v63  }
0x49: {  	v3 =	vperm.xlane v3, v2  }
0x4a: {  	[tilespmem:s13], [sflag:$0x1] =	stream.indirect_vreg.gather [hbm4b:s4+s2], $0x80, v4, vm0, $0xb8;
	[tilespmem:$0x10080] =	vst v63  }
0x4b: {  	v3 =	vadd.s32 v1, v3  }
0x4c: {  	[tilespmem:s14], [sflag:$0x1] =	stream.indirect_vreg.gather [hbm4b:s5+s2], $0x80, v4, vm0, $0xb8;
	[tilespmem:$0x10080] =	vst v63  }
0x4d: {  	_ = 	snop  }
0x4e: {  	[tilespmem:s15], [sflag:$0x1] =	stream.indirect_vreg.gather [hbm4b:s6+s2], $0x80, v4, vm0, $0xb8;
	[tilespmem:$0x10080] =	vst v63  }
0x4f: {  	_ = 	snop  }
0x50: {  	[tilespmem:s16], [sflag:$0x1] =	stream.indirect_vreg.gather [hbm4b:s3+s2], $0x80, v3, vm0, $0xb8;
	[tilespmem:$0x10080] =	vst v63  }
0x51: {  	_ = 	snop  }
0x52: {  	[tilespmem:s17], [sflag:$0x1] =	stream.indirect_vreg.gather [hbm4b:s4+s2], $0x80, v3, vm0, $0xb8;
	[tilespmem:$0x10080] =	vst v63  }
0x53: {  	_ = 	snop  }
0x54: {  	[tilespmem:s9], [sflag:$0x1] =	stream.indirect_vreg.gather [hbm4b:s5+s2], $0x80, v3, vm0, $0xb8;
	[tilespmem:$0x10080] =	vst v63  }
0x55: {  	s19 =	simm.s32 $0xB880  }
0x56: {  	[tilespmem:s19], [sflag:$0x1] =	stream.indirect_vreg.gather [hbm4b:s6+s2], $0x80, v3, vm0, $0xb8;
	[tilespmem:$0x10080] =	vst v63  }
0x57: {  	v3 =	vld [tilespmem:$0x30];
	_ =	sdelay $0x4  }
0x58: {  	v59 =	vshll.u32 v3, $0x3  }
0x59: {  	v3 =	vand.u32 $0x7, v3;
	v4 =	vand.u32 $0xFFFFFFC0, v59  }
0x5a: {  	v3 =	vor.u32 v3, v4  }
0x5b: {  	v4 =	vperm.xlane v3, v0;
	_ =	sdelay $0x1  }
0x5c: {  	v4 =	vadd.s32 v1, v4;
	_ =	sdelay $0x3  }
0x5d: {  	s19 =	simm.s32 $0xC080  }
0x5e: {  	[tilespmem:s19], [sflag:$0x1] =	stream.indirect_vreg.gather [hbm4b:s3+s2], $0x80, v4, vm0, $0xb8;
	[tilespmem:$0x10080] =	vst v63  }
0x5f: {  	v3 =	vperm.xlane v3, v2;
	s19 =	simm.s32 $0xC880  }
0x60: {  	[tilespmem:s19], [sflag:$0x1] =	stream.indirect_vreg.gather [hbm4b:s4+s2], $0x80, v4, vm0, $0xb8;
	[tilespmem:$0x10080] =	vst v63  }
0x61: {  	v3 =	vadd.s32 v1, v3;
	s19 =	simm.s32 $0xD080  }
0x62: {  	[tilespmem:s19], [sflag:$0x1] =	stream.indirect_vreg.gather [hbm4b:s5+s2], $0x80, v4, vm0, $0xb8;
	[tilespmem:$0x10080] =	vst v63  }
0x63: {  	s19 =	simm.s32 $0xD880  }
0x64: {  	[tilespmem:s19], [sflag:$0x1] =	stream.indirect_vreg.gather [hbm4b:s6+s2], $0x80, v4, vm0, $0xb8;
	[tilespmem:$0x10080] =	vst v63  }
0x65: {  	s19 =	simm.s32 $0xE080  }
0x66: {  	[tilespmem:s19], [sflag:$0x1] =	stream.indirect_vreg.gather [hbm4b:s3+s2], $0x80, v3, vm0, $0xb8;
	[tilespmem:$0x10080] =	vst v63  }
0x67: {  	s19 =	simm.s32 $0xE880  }
0x68: {  	[tilespmem:s19], [sflag:$0x1] =	stream.indirect_vreg.gather [hbm4b:s4+s2], $0x80, v3, vm0, $0xb8;
	[tilespmem:$0x10080] =	vst v63  }
0x69: {  	s19 =	simm.s32 $0xF080  }
0x6a: {  	[tilespmem:s19], [sflag:$0x1] =	stream.indirect_vreg.gather [hbm4b:s5+s2], $0x80, v3, vm0, $0xb8;
	[tilespmem:$0x10080] =	vst v63  }
0x6b: {  	s19 =	simm.s32 $0xF880  }
0x6c: {  	[tilespmem:s19], [sflag:$0x1] =	stream.indirect_vreg.gather [hbm4b:s6+s2], $0x80, v3, vm0, $0xb8;
	[tilespmem:$0x10080] =	vst v63  }
0x6d: {  	_ =	swait.ge [sflag:s18], $0x10000  }
0x6e: {  	[sflag:s18] =	ssyncset.done $0x0  }
0x6f: {  	s19 =	rddreg [dreg:$0x3];
	[sflag:s18] =	ssyncadd.s32 $0xFFFF0000  }
0x70: {  	[hbm4b:s19+s2] =	stream.linear.scatter [tilespmem:s0], [sflag:$0x2], $0x10000, $0x38;
	[tilespmem:$0x10080] =	vst v63  }
0x71: {  	_ =	swait.ge [sflag:s8], $0x10000  }
0x72: {  	[sflag:s8] =	ssyncset.done $0x0  }
0x73: {  	s19 =	rddreg [dreg:$0x4];
	[sflag:s8] =	ssyncadd.s32 $0xFFFF0000  }
0x74: {  	[tilespmem:s2], [sflag:$0x2] =	stream.linear.gather [hbm4b:s19+s2], $0x80, $0x38;
	[tilespmem:$0x10080] =	vst v63  }
0x75: {  	_ =	swait.ge [sflag:s8], $0x80  }
0x76: {  	[sflag:s8] =	ssyncset.done $0x0  }
0x77: {  	[sflag:s8] =	ssyncadd.s32 $0xFFFFFF80  }
0x78: {  	v3 =	vld [tilespmem:$0x0];
	_ =	sdelay $0x4  }
0x79: {  	v60 =	vshll.u32 v3, $0x3  }
0x7a: {  	v3 =	vand.u32 $0x7, v3;
	v4 =	vand.u32 $0xFFFFFFC0, v60  }
0x7b: {  	v3 =	vor.u32 v3, v4  }
0x7c: {  	v4 =	vperm.xlane v3, v0;
	_ =	sdelay $0x1  }
0x7d: {  	v4 =	vadd.s32 v1, v4;
	_ =	sdelay $0x4  }
0x7e: {  	[tilespmem:s0], [sflag:$0x1] =	stream.indirect_vreg.gather [hbm4b:s3+s2], $0x80, v4, vm0, $0xb8;
	[tilespmem:$0x10080] =	vst v63  }
0x7f: {  	v3 =	vperm.xlane v3, v2  }
0x80: {  	[tilespmem:s20], [sflag:$0x1] =	stream.indirect_vreg.gather [hbm4b:s4+s2], $0x80, v4, vm0, $0xb8;
	[tilespmem:$0x10080] =	vst v63  }
0x81: {  	v3 =	vadd.s32 v1, v3  }
0x82: {  	[tilespmem:s21], [sflag:$0x1] =	stream.indirect_vreg.gather [hbm4b:s5+s2], $0x80, v4, vm0, $0xb8;
	[tilespmem:$0x10080] =	vst v63  }
0x83: {  	_ = 	snop  }
0x84: {  	[tilespmem:s22], [sflag:$0x1] =	stream.indirect_vreg.gather [hbm4b:s6+s2], $0x80, v4, vm0, $0xb8;
	[tilespmem:$0x10080] =	vst v63  }
0x85: {  	_ = 	snop  }
0x86: {  	[tilespmem:s23], [sflag:$0x1] =	stream.indirect_vreg.gather [hbm4b:s3+s2], $0x80, v3, vm0, $0xb8;
	[tilespmem:$0x10080] =	vst v63  }
0x87: {  	_ = 	snop  }
0x88: {  	[tilespmem:s24], [sflag:$0x1] =	stream.indirect_vreg.gather [hbm4b:s4+s2], $0x80, v3, vm0, $0xb8;
	[tilespmem:$0x10080] =	vst v63  }
0x89: {  	_ = 	snop  }
0x8a: {  	[tilespmem:s25], [sflag:$0x1] =	stream.indirect_vreg.gather [hbm4b:s5+s2], $0x80, v3, vm0, $0xb8;
	[tilespmem:$0x10080] =	vst v63  }
0x8b: {  	_ = 	snop  }
0x8c: {  	[tilespmem:s26], [sflag:$0x1] =	stream.indirect_vreg.gather [hbm4b:s6+s2], $0x80, v3, vm0, $0xb8;
	[tilespmem:$0x10080] =	vst v63  }
0x8d: {  	v3 =	vld [tilespmem:$0x10];
	_ =	sdelay $0x4  }
0x8e: {  	v61 =	vshll.u32 v3, $0x3  }
0x8f: {  	v3 =	vand.u32 $0x7, v3;
	v4 =	vand.u32 $0xFFFFFFC0, v61  }
0x90: {  	v3 =	vor.u32 v3, v4  }
0x91: {  	v4 =	vperm.xlane v3, v0;
	_ =	sdelay $0x1  }
0x92: {  	v4 =	vadd.s32 v1, v4;
	_ =	sdelay $0x4  }
0x93: {  	[tilespmem:s28], [sflag:$0x1] =	stream.indirect_vreg.gather [hbm4b:s3+s2], $0x80, v4, vm0, $0xb8;
	[tilespmem:$0x10080] =	vst v63  }
0x94: {  	v3 =	vperm.xlane v3, v2  }
0x95: {  	[tilespmem:s29], [sflag:$0x1] =	stream.indirect_vreg.gather [hbm4b:s4+s2], $0x80, v4, vm0, $0xb8;
	[tilespmem:$0x10080] =	vst v63  }
0x96: {  	v3 =	vadd.s32 v1, v3  }
0x97: {  	[tilespmem:s30], [sflag:$0x1] =	stream.indirect_vreg.gather [hbm4b:s5+s2], $0x80, v4, vm0, $0xb8;
	[tilespmem:$0x10080] =	vst v63  }
0x98: {  	_ = 	snop  }
0x99: {  	[tilespmem:s31], [sflag:$0x1] =	stream.indirect_vreg.gather [hbm4b:s6+s2], $0x80, v4, vm0, $0xb8;
	[tilespmem:$0x10080] =	vst v63  }
0x9a: {  	s19 =	simm.s32 $0x6080  }
0x9b: {  	[tilespmem:s19], [sflag:$0x1] =	stream.indirect_vreg.gather [hbm4b:s3+s2], $0x80, v3, vm0, $0xb8;
	[tilespmem:$0x10080] =	vst v63  }
0x9c: {  	_ = 	snop  }
0x9d: {  	[tilespmem:s1], [sflag:$0x1] =	stream.indirect_vreg.gather [hbm4b:s4+s2], $0x80, v3, vm0, $0xb8;
	[tilespmem:$0x10080] =	vst v63  }
0x9e: {  	_ = 	snop  }
0x9f: {  	[tilespmem:s10], [sflag:$0x1] =	stream.indirect_vreg.gather [hbm4b:s5+s2], $0x80, v3, vm0, $0xb8;
	[tilespmem:$0x10080] =	vst v63  }
0xa0: {  	_ = 	snop  }
0xa1: {  	[tilespmem:s11], [sflag:$0x1] =	stream.indirect_vreg.gather [hbm4b:s6+s2], $0x80, v3, vm0, $0xb8;
	[tilespmem:$0x10080] =	vst v63  }
0xa2: {  	v3 =	vld [tilespmem:$0x20];
	_ =	sdelay $0x4  }
0xa3: {  	v62 =	vshll.u32 v3, $0x3  }
0xa4: {  	v3 =	vand.u32 $0x7, v3;
	v4 =	vand.u32 $0xFFFFFFC0, v62  }
0xa5: {  	v3 =	vor.u32 v3, v4  }
0xa6: {  	v4 =	vperm.xlane v3, v0;
	_ =	sdelay $0x1  }
0xa7: {  	v4 =	vadd.s32 v1, v4;
	_ =	sdelay $0x4  }
0xa8: {  	[tilespmem:s12], [sflag:$0x1] =	stream.indirect_vreg.gather [hbm4b:s3+s2], $0x80, v4, vm0, $0xb8;
	[tilespmem:$0x10080] =	vst v63  }
0xa9: {  	v3 =	vperm.xlane v3, v2  }
0xaa: {  	[tilespmem:s13], [sflag:$0x1] =	stream.indirect_vreg.gather [hbm4b:s4+s2], $0x80, v4, vm0, $0xb8;
	[tilespmem:$0x10080] =	vst v63  }
0xab: {  	v3 =	vadd.s32 v1, v3  }
0xac: {  	[tilespmem:s14], [sflag:$0x1] =	stream.indirect_vreg.gather [hbm4b:s5+s2], $0x80, v4, vm0, $0xb8;
	[tilespmem:$0x10080] =	vst v63  }
0xad: {  	_ = 	snop  }
0xae: {  	[tilespmem:s15], [sflag:$0x1] =	stream.indirect_vreg.gather [hbm4b:s6+s2], $0x80, v4, vm0, $0xb8;
	[tilespmem:$0x10080] =	vst v63  }
0xaf: {  	_ = 	snop  }
0xb0: {  	[tilespmem:s16], [sflag:$0x1] =	stream.indirect_vreg.gather [hbm4b:s3+s2], $0x80, v3, vm0, $0xb8;
	[tilespmem:$0x10080] =	vst v63  }
0xb1: {  	_ = 	snop  }
0xb2: {  	[tilespmem:s17], [sflag:$0x1] =	stream.indirect_vreg.gather [hbm4b:s4+s2], $0x80, v3, vm0, $0xb8;
	[tilespmem:$0x10080] =	vst v63  }
0xb3: {  	_ = 	snop  }
0xb4: {  	[tilespmem:s9], [sflag:$0x1] =	stream.indirect_vreg.gather [hbm4b:s5+s2], $0x80, v3, vm0, $0xb8;
	[tilespmem:$0x10080] =	vst v63  }
0xb5: {  	s19 =	simm.s32 $0xB880  }
0xb6: {  	[tilespmem:s19], [sflag:$0x1] =	stream.indirect_vreg.gather [hbm4b:s6+s2], $0x80, v3, vm0, $0xb8;
	[tilespmem:$0x10080] =	vst v63  }
0xb7: {  	v3 =	vld [tilespmem:$0x30];
	_ =	sdelay $0x4  }
0xb8: {  	v63 =	vshll.u32 v3, $0x3  }
0xb9: {  	v3 =	vand.u32 $0x7, v3;
	v4 =	vand.u32 $0xFFFFFFC0, v63  }
0xba: {  	v3 =	vor.u32 v3, v4  }
0xbb: {  	v4 =	vperm.xlane v3, v0;
	_ =	sdelay $0x1  }
0xbc: {  	v4 =	vadd.s32 v1, v4;
	_ =	sdelay $0x3  }
0xbd: {  	s19 =	simm.s32 $0xC080  }
0xbe: {  	[tilespmem:s19], [sflag:$0x1] =	stream.indirect_vreg.gather [hbm4b:s3+s2], $0x80, v4, vm0, $0xb8;
	[tilespmem:$0x10080] =	vst v63  }
0xbf: {  	v3 =	vperm.xlane v3, v2;
	s19 =	simm.s32 $0xC880  }
0xc0: {  	[tilespmem:s19], [sflag:$0x1] =	stream.indirect_vreg.gather [hbm4b:s4+s2], $0x80, v4, vm0, $0xb8;
	[tilespmem:$0x10080] =	vst v63  }
0xc1: {  	v3 =	vadd.s32 v1, v3;
	s19 =	simm.s32 $0xD080  }
0xc2: {  	[tilespmem:s19], [sflag:$0x1] =	stream.indirect_vreg.gather [hbm4b:s5+s2], $0x80, v4, vm0, $0xb8;
	[tilespmem:$0x10080] =	vst v63  }
0xc3: {  	s19 =	simm.s32 $0xD880  }
0xc4: {  	[tilespmem:s19], [sflag:$0x1] =	stream.indirect_vreg.gather [hbm4b:s6+s2], $0x80, v4, vm0, $0xb8;
	[tilespmem:$0x10080] =	vst v63  }
0xc5: {  	s19 =	simm.s32 $0xE080  }
0xc6: {  	[tilespmem:s19], [sflag:$0x1] =	stream.indirect_vreg.gather [hbm4b:s3+s2], $0x80, v3, vm0, $0xb8;
	[tilespmem:$0x10080] =	vst v63  }
0xc7: {  	s19 =	simm.s32 $0xE880  }
0xc8: {  	[tilespmem:s19], [sflag:$0x1] =	stream.indirect_vreg.gather [hbm4b:s4+s2], $0x80, v3, vm0, $0xb8;
	[tilespmem:$0x10080] =	vst v63  }
0xc9: {  	s19 =	simm.s32 $0xF080  }
0xca: {  	[tilespmem:s19], [sflag:$0x1] =	stream.indirect_vreg.gather [hbm4b:s5+s2], $0x80, v3, vm0, $0xb8;
	[tilespmem:$0x10080] =	vst v63  }
0xcb: {  	s19 =	simm.s32 $0xF880  }
0xcc: {  	[tilespmem:s19], [sflag:$0x1] =	stream.indirect_vreg.gather [hbm4b:s6+s2], $0x80, v3, vm0, $0xb8;
	[tilespmem:$0x10080] =	vst v63  }
0xcd: {  	_ =	swait.ge [sflag:s18], $0x10000  }
0xce: {  	p0 =	sne.s32 s7, $0x1;
	[sflag:s18] =	ssyncset.done $0x0  }
.Ltmp0:
0xcf: {  	s1 =	rddreg [dreg:$0x5];
	[sflag:s18] =	ssyncadd.s32 $0xFFFF0000;
	(pc) =	sbr.rel @p0 .LBB2_1-.Ltmp0, $4  }
0xd0: {  	[hbm4b:s1+s2] =	stream.linear.scatter [tilespmem:s0], [sflag:$0x2], $0x10000, $0x38;
	[tilespmem:$0x10080] =	vst v63  }
0xd1: {  	_ =	swait.ge [sflag:s8], $0x10000  }
0xd2: {  	[sflag:s8] =	ssyncset.done $0x0  }
0xd3: {  	s7 =	sadd.s32 $0xFFFFFFFF, s7;
	[sflag:s8] =	ssyncadd.s32 $0xFFFF0000  }
0xd4: {  	_ =	sfence.sel $0x180000  }
0xd5: {  	[bflag:$0x0] =	sbarrier.arrive $0xFFFF  }
0xd6: {  	_ =	strace $0x9000004A  }
0xd7: {  	s0 =	stileid.u32;
	[bflag:$0x2] =	sbarrier.arrive $0xFFFF  }
0xd8: {  	p0 =	sne.s32 s0, $0x0;
	s0 =	rddreg [dreg:$0x1]  }
0xd9: {  	s0 =	sadd.s32 @!p0 $0x100000, s0  }
0xda: {  	[sflag:s0] =	ssyncadd.tile.s32 @!p0 $0x1;
	_ =	shalt  }
.Lfunc_end2:
_tile_overlayer_lowered:
.L_overlay_start_2:
0xdb: {  	(tag) =	ssettag $0x2  }
0xdc: {  	s0 =	rddreg [dreg:$0x0];
	s2 =	stileid.u32  }
0xdd: {  	s1 =	rddreg [dreg:$0x1];
	p0 =	sne.s32 s2, $0x0  }
0xde: {  	s3 =	rddreg [dreg:$0x2];
	[bflag:$0x3] =	sbarrier.arrive $0xFFFF;
	s2 =	simm.s32 @!p0 $0x1C02  }
0xdf: {  	[timem:s3], [sflag:s2] =	dma.local @!p0 [hbm:s0], s1  }
0xe0: {  	s0 =	simm.s32 @!p0 $0x2  }
0xe1: {  	_ =	swait.ge @!p0 [sflag:s0], s1  }
0xe2: {  	s1 =	ssub.s32 @!p0 $0x0, s1;
	[sflag:s0] =	ssyncset.done @!p0 $0x0  }
0xe3: {  	[sflag:s0] =	ssyncadd.s32 @!p0 s1  }
0xe4: {  	[bflag:$0x3] =	sbarrier.arrive $0xFFFF  }
0xe5: {  	_ =	shalt  }

// kernel: kernel.8.cloned.1.call-start
scs
__scs_entry_jumppad:
0x0: {  	(pc) =	sbr.rel $0x88, $3  }
0x1: {  	(tag) =	ssettag $0x0;
	lr =	simm.s32 $0x1  }
0x2: {  	[smem:$0x3F91] =	sst lr;
	_ =	strace $0xD0000000  }
0x3: {  	_ = 	snop  }
0x4: {  	_ = 	snop  }
0x5: {  	_ = 	snop  }
0x6: {  	_ = 	snop  }
0x7: {  	_ = 	snop  }
__scs_overlays_trampoline_lowered:
0x8: {  	[smem:$0x3FA0] =	sst s0  }
0x9: {  	[smem:$0x3FA1] =	sst s1  }
0xa: {  	[smem:$0x3FA2] =	sst s2  }
0xb: {  	[smem:$0x3FA3] =	sst s3  }
0xc: {  	[smem:$0x3FA4] =	sst s4  }
0xd: {  	[smem:$0x3FA5] =	sst s5  }
0xe: {  	[smem:$0x3FA6] =	sst s6  }
0xf: {  	[smem:$0x3FA7] =	sst s7  }
0x10: {  	[smem:$0x3FA8] =	sst s8  }
0x11: {  	[smem:$0x3FA9] =	sst s9;
	s0 =	simm.s32 @!p0 $0x0  }
0x12: {  	s1 =	sld [smem:$0x3F8F];
	s0 =	simm.s32 @p0 $0x1  }
0x13: {  	[smem:$0x3FAA] =	sst s0;
	s0 =	simm.s32 @!p1 $0x0  }
0x14: {  	s2 =	sld [smem:$0x3F8E];
	s0 =	simm.s32 @p1 $0x1  }
0x15: {  	[smem:$0x3FAB] =	sst s0;
	s0 =	simm.s32 @!p2 $0x0  }
0x16: {  	s3 =	sld [smem:$0x3FDB];
	s0 =	simm.s32 @p2 $0x1  }
0x17: {  	s4 =	simm.s32 $0x1BF5;
	[smem:$0x3FAD] =	sst s0  }
0x18: {  	s0 =	sld [smem:$0x3F90];
	_ =	swait.ge [sflag:s4], $0x0  }
0x19: {  	s7 =	sld [smem:$0x3F91]  }
0x1a: {  	s8 =	sadd.s32 $0xFFFFE003, lr  }
0x1b: {  	s9 =	sadd.s32 $0xFFFFFEF7, lr;
	s5 =	simm.s32 $0xFFFFFFFF;
	p2 =	slt.u32 s8, $0xFFFFF086  }
0x1c: {  	p1 =	slt.u32 s9, $0xF7A;
	s5 =	simm.s32 @!p2 $0x0  }
0x1d: {  	s5 =	simm.s32 @p1 $0x1;
	p0 =	seq.s32 s7, s2  }
0x1e: {  	s7 =	smul.u32 @!p0 $0xF7A, s2;
	p2 =	seq.s32 @!p0 s5, $0x0  }
0x1f: {  	s9 =	smul.u32 $0xF7A, s1;
	s8 =	simm.s32 @!p0 $0x1BF5;
	p2 =	por !p2, p0  }
0x20: {  	[sflag:s8] =	ssyncset.s32 @!p0 $0xFFFFF086;
	s6 =	sadd.s32 @!p0 s3, s7;
	s7 =	simm.s32 @!p0 $0x108  }
0x21: {  	s3 =	sadd.s32 s3, s9;
	s6 =	sadd.s32 @!p0 $0x88, s6;
	s7 =	simm.s32 @p2 $0x1082  }
0x22: {  	[simem:s7], [sflag:s8] =	dma.local @!p0 [hbm:s6], $0xF7A  }
0x23: {  	s9 =	sor.u32 $0xD0000000, s2;
	s6 =	simm.s32 $0x108;
	_ =	swait.ge @!p0 [sflag:s8], $0x0  }
0x24: {  	s3 =	sadd.s32 $0x88, s3;
	s6 =	simm.s32 @!p1 $0x1082;
	[sflag:s4] =	ssyncset.s32 $0xFFFFF086  }
0x25: {  	[simem:s6], [sflag:s4] =	dma.local [hbm:s3], $0xF7A  }
0x26: {  	[smem:$0x3F91] =	sst s1;
	(tag) =	ssettag s2;
	_ =	strace s9  }
0x27: {  	s1 =	sld [smem:$0x3FA1]  }
0x28: {  	s2 =	sld [smem:$0x3FA2]  }
0x29: {  	s4 =	sld [smem:$0x3FA4]  }
0x2a: {  	p0 =	seq.s32 s5, $0x0;
	s5 =	sld [smem:$0x3FA5]  }
0x2b: {  	s6 =	sld [smem:$0x3FA6]  }
0x2c: {  	s7 =	sld [smem:$0x3FA7]  }
0x2d: {  	s3 =	simm.s32 $0x108;
	s8 =	sld [smem:$0x3FA8]  }
0x2e: {  	s3 =	simm.s32 @!p0 $0x1082;
	s9 =	sld [smem:$0x3FA9]  }
0x2f: {  	lr =	sadd.s32 s0, s3;
	s0 =	sld [smem:$0x3FA0]  }
0x30: {  	s3 =	sld [smem:$0x3FA3]  }
0x31: {  	[smem:$0x3FAC] =	sst s10  }
0x32: {  	s10 =	sld [smem:$0x3FAA];
	_ =	sdelay $0x3  }
0x33: {  	p0 =	seq.s32 s10, $0x1;
	s10 =	sld [smem:$0x3FAC];
	_ =	sdelay $0x3  }
0x34: {  	[smem:$0x3FAC] =	sst s10  }
0x35: {  	s10 =	sld [smem:$0x3FAB];
	_ =	sdelay $0x3  }
0x36: {  	p1 =	seq.s32 s10, $0x1;
	s10 =	sld [smem:$0x3FAC];
	_ =	sdelay $0x3  }
0x37: {  	[smem:$0x3FAC] =	sst s10  }
0x38: {  	s10 =	sld [smem:$0x3FAD]  }
0x39: {  	_ = 	snop;
	(pc) =	sbr.ind lr, $3  }
0x3a: {  	_ = 	snop  }
0x3b: {  	_ = 	snop  }
0x3c: {  	p2 =	seq.s32 s10, $0x1;
	s10 =	sld [smem:$0x3FAC]  }
0x3d: {  	_ =	shalt  }
0x3e: {  	_ =	shalt  }
0x3f: {  	_ =	shalt  }
0x40: {  	_ =	shalt  }
0x41: {  	_ =	shalt  }
0x42: {  	_ =	shalt  }
0x43: {  	_ =	shalt  }
0x44: {  	_ =	shalt  }
0x45: {  	_ =	shalt  }
0x46: {  	_ =	shalt  }
0x47: {  	_ =	shalt  }
0x48: {  	_ =	shalt  }
0x49: {  	_ =	shalt  }
0x4a: {  	_ =	shalt  }
0x4b: {  	_ =	shalt  }
0x4c: {  	_ =	shalt  }
0x4d: {  	_ =	shalt  }
0x4e: {  	_ =	shalt  }
0x4f: {  	_ =	shalt  }
0x50: {  	_ =	shalt  }
0x51: {  	_ =	shalt  }
0x52: {  	_ =	shalt  }
0x53: {  	_ =	shalt  }
0x54: {  	_ =	shalt  }
0x55: {  	_ =	shalt  }
0x56: {  	_ =	shalt  }
0x57: {  	_ =	shalt  }
0x58: {  	_ =	shalt  }
0x59: {  	_ =	shalt  }
0x5a: {  	_ =	shalt  }
0x5b: {  	_ =	shalt  }
0x5c: {  	_ =	shalt  }
0x5d: {  	_ =	shalt  }
0x5e: {  	_ =	shalt  }
0x5f: {  	_ =	shalt  }
0x60: {  	_ =	shalt  }
0x61: {  	_ =	shalt  }
0x62: {  	_ =	shalt  }
0x63: {  	_ =	shalt  }
0x64: {  	_ =	shalt  }
0x65: {  	_ =	shalt  }
0x66: {  	_ =	shalt  }
0x67: {  	_ =	shalt  }
0x68: {  	_ =	shalt  }
0x69: {  	_ =	shalt  }
0x6a: {  	_ =	shalt  }
0x6b: {  	_ =	shalt  }
0x6c: {  	_ =	shalt  }
0x6d: {  	_ =	shalt  }
0x6e: {  	_ =	shalt  }
0x6f: {  	_ =	shalt  }
0x70: {  	_ =	shalt  }
0x71: {  	_ =	shalt  }
0x72: {  	_ =	shalt  }
0x73: {  	_ =	shalt  }
0x74: {  	_ =	shalt  }
0x75: {  	_ =	shalt  }
0x76: {  	_ =	shalt  }
0x77: {  	_ =	shalt  }
0x78: {  	_ =	shalt  }
0x79: {  	_ =	shalt  }
0x7a: {  	_ =	shalt  }
0x7b: {  	_ =	shalt  }
0x7c: {  	_ =	shalt  }
0x7d: {  	_ =	shalt  }
0x7e: {  	_ =	shalt  }
0x7f: {  	_ =	shalt  }
0x80: {  	_ =	shalt  }
0x81: {  	_ =	shalt  }
0x82: {  	_ =	shalt  }
0x83: {  	_ =	shalt  }
0x84: {  	_ =	shalt  }
0x85: {  	_ =	shalt  }
0x86: {  	_ =	shalt  }
0x87: {  	_ =	shalt  }
.Lfunc_end0:
.L_simem_size_0:
called_computation_lowered:
.L_overlay_start_0:
0x88: {  	s2 =	sld [smem:$0x3FD9]  }
0x89: {  	s3 =	sld [smem:$0x3FFE];
	_ =	sdelay $0x1  }
0x8a: {  	s1 =	srdreg.scid  }
0x8b: {  	s0 =	sand.u32 $0x1, s1  }
0x8c: {  	s16 =	sshll.u32 s0, $0xA;
	s2 =	sadd.s32 s3, s2  }
0x8d: {  	s2 =	sadd.s32 s2, s16  }
0x8e: {  	[smem:$0x3FB8] =	sst s2  }
0x8f: {  	_ = 	snop  }
0x90: {  	(tm) =	ssettm $0x1  }
0x91: {  	s17 =	sld [smem:$0x3FFB];
	_ =	sdelay $0x3  }
0x92: {  	_ =	strace s17  }
0x93: {  	s2 =	sld [smem:$0x3FFC];
	_ =	sdelay $0x3  }
0x94: {  	_ =	strace s2  }
0x95: {  	s2 =	sld [smem:$0x3FFD];
	_ =	sdelay $0x3  }
0x96: {  	_ =	strace s2  }
0x97: {  	_ =	strace $0x8FFFFFFF  }
0x98: {  	s18 =	sld [smem:$0x3FDB];
	_ =	sdelay $0x1  }
0x99: {  	s19 =	simm.s32 $_scs_section_size  }
0x9a: {  	s4 =	simm.s32 $_size__tile_overlayer_lowered;
	s5 =	simm.s32 $_tile_overlayer_lowered  }
0x9b: {  	s22 =	simm.s32 $0x1BFF;
	s21 =	sshll.u32 s5, $0x1;
	s2 =	sadd.s32 s19, s18  }
0x9c: {  	s6 =	simm.s32 $0x0;
	s20 =	sshll.u32 s4, $0x1;
	s4 =	sadd.s32 s21, s2  }
0x9d: {  	[timem:s6], [sflag:s22] =	dma.local [hbm:s4], s20  }
0x9e: {  	_ =	swait.ge [sflag:s22], s20  }
0x9f: {  	s3 =	ssub.s32 $0x0, s20;
	[sflag:s22] =	ssyncset.done $0x0  }
0xa0: {  	[sflag:s22] =	ssyncadd.s32 s3;
	_ =	sdelay $0x1  }
0xa1: {  	s23 =	simm.s32 $0x1B8B  }
0xa2: {  	_ =	swait.ge [sflag:s23], $0x1  }
0xa3: {  	[sflag:s23] =	ssyncset.done $0x0  }
0xa4: {  	s25 =	simm.s32 $0x1B8E;
	s24 =	sld [smem:$0x3FFE];
	[sflag:s23] =	ssyncadd.s32 $0xFFFFFFFF  }
0xa5: {  	s26 =	simm.s32 $execute0_lowered;
	[smem:$0x3FD2] =	sst s25  }
0xa6: {  	s4 =	sshll.u32 s26, $0x1;
	_ =	strace $0x80000046;
	[dreg:$0x1] =	wrdreg $0xFFFFFFFF  }
0xa7: {  	s28 =	simm.s32 $_size_execute0_lowered;
	s2 =	sadd.s32 s2, s4;
	[dreg:$0x0] =	wrdreg $0x0  }
0xa8: {  	s4 =	sshll.u32 s28, $0x1;
	[dreg:$0x2] =	wrdreg s2  }
0xa9: {  	[dreg:$0x3] =	wrdreg s4  }
0xaa: {  	[dreg:$0x4] =	wrdreg $0xC0  }
0xab: {  	_ =	task [dreg:s6], $0x5FFFF  }
0xac: {  	[dreg:$0x1] =	wrdreg $0xFFFFFFFF  }
0xad: {  	[dreg:$0x0] =	wrdreg $0x60  }
0xae: {  	[dreg:$0x2] =	wrdreg s24  }
0xaf: {  	[dreg:$0x3] =	wrdreg $0x9  }
0xb0: {  	_ =	task.clear_ibuf [dreg:s6], $0x4FFFF;
	_ =	strace $0x90000046  }
0xb1: {  	s29 =	simm.s32 $0x9;
	_ =	strace $0x80000048  }
0xb2: {  	_ =	swait.ge [sflag:s29], $0x1  }
0xb3: {  	[sflag:s29] =	ssyncadd.s32 $0xFFFFFFFF  }
0xb4: {  	_ =	strace $0x90000048  }
0xb5: {  	_ =	sfence  }
0xb6: {  	s30 =	sld [smem:$0x0];
	_ =	sdelay $0x2  }
0xb7: {  	s31 =	sshll.u32 s1, $0xD;
	s1 =	sshrl.u32 s1, $0x2  }
0xb8: {  	s3 =	sand.u32 $0x4000, s31;
	s1 =	sadd.s32 s1, s30  }
0xb9: {  	s0 =	sor.u32 s3, s0;
	s1 =	sshll.u32 s1, $0x11  }
0xba: {  	s0 =	sor.u32 s1, s0  }
0xbb: {  	s0 =	sadd.s32 $0x8F2B, s0  }
0xbc: {  	[sflag:s0] =	ssyncadd.remote.s32 $0x1  }
0xbd: {  	_ =	sfence.sel $0xFFFF  }
0xbe: {  	[dreg:$0x0] =	wrdreg $0xFFFFFFFF;
	(pc) =	sbr.abs _section_cstart, $3  }
0xbf: {  	[dreg:$0x1] =	wrdreg $0xFFFFFFFF  }
0xc0: {  	_ =	task.clear_ibuf [dreg:s6], $0x2FFFF;
	_ =	strace $0x9FFFFFFF  }
0xc1: {  	(tm) =	ssettm $0x7FFFFFFF  }
tec
execute0_lowered:
.L_overlay_start_1:
0x0: {  	(tag) =	ssettag $0x1  }
0x1: {  	s0 =	srdreg.scid  }
0x2: {  	s2 =	stileid.u32;
	s1 =	rddreg [dreg:$0x0];
	s26 =	simm.s32 $0x80  }
0x3: {  	s8 =	simm.s32 $0x2;
	s18 =	simm.s32 $0x1;
	s21 =	simm.s32 $0x1900  }
0x4: {  	s22 =	simm.s32 $0x2100;
	s23 =	simm.s32 $0x2900;
	s28 =	simm.s32 $0x4900  }
0x5: {  	s29 =	simm.s32 $0x5100;
	s30 =	simm.s32 $0x5900;
	s31 =	simm.s32 $0x6100  }
0x6: {  	s10 =	simm.s32 $0x7900;
	s11 =	simm.s32 $0x8100;
	s12 =	simm.s32 $0x8900  }
0x7: {  	s13 =	simm.s32 $0x9100;
	s14 =	simm.s32 $0x9900;
	s15 =	simm.s32 $0xA100  }
0x8: {  	s16 =	simm.s32 $0xA900;
	s0 =	sand.u32 $0x1, s0;
	s3 =	sshll.u32 s2, $0x1  }
0x9: {  	s17 =	simm.s32 $0xB100;
	s2 =	simm.s32 $0x0;
	s3 =	sor.u32 s0, s3  }
0xa: {  	[smem:$0x7FF] =	sst s2;
	s0 =	ssub.s32 $0x2, s0;
	s4 =	sshll.u32 s3, $0x4  }
0xb: {  	_ =	strace $0x80000047;
	s3 =	sshll.u32 s3, $0xD;
	s24 =	sshrl.u32 s0, $0x1  }
0xc: {  	[dreg:$0x5] =	wrdreg s26;
	s26 =	simm.s32 $0x4100;
	s4 =	sadd.s32 s4, s1  }
0xd: {  	s5 =	sadd.s32 s3, s1;
	s3 =	sadd.s32 $0x61200, s1;
	s6 =	sadd.s32 $0x60E00, s4  }
0xe: {  	s0 =	ssub.s32 s0, s24;
	s4 =	sadd.s32 $0x61000, s4;
	[dreg:$0x2] =	wrdreg s6  }
0xf: {  	v2 =	vlaneseq.u32;
	s24 =	simm.s32 $0x3100;
	s25 =	sadd.s32 $0xE00, s5;
	[dreg:$0x3] =	wrdreg s4  }
0x10: {  	vm0 =	vmmov $0xffff;
	v1 =	vshrl.u32 v2, $0x3;
	s5 =	sadd.s32 $0x61400, s1;
	s7 =	smax.u32 s0, $0x1;
	[dreg:$0x4] =	wrdreg s25  }
0x11: {  	v0 =	vand.u32 $0x7, v2;
	v2 =	vor.u32 $0x8, v2;
	v1 =	vmul.u32 $0x8, v1;
	s4 =	sadd.s32 $0x61300, s1;
	s6 =	sadd.s32 $0x61500, s1;
	s25 =	simm.s32 $0x3900  }
.LBB2_1:
0x12: {  	s19 =	rddreg [dreg:$0x2]  }
0x13: {  	[tilespmem:s2], [sflag:$0x2] =	stream.linear.gather [hbm4b:s19+s2], $0x80, $0x38;
	[tilespmem:$0x10100] =	vst v63  }
0x14: {  	_ =	swait.ge [sflag:s8], $0x80  }
0x15: {  	s1 =	rddreg [dreg:$0x3];
	[sflag:s8] =	ssyncset.done $0x0  }
0x16: {  	s20 =	rddreg [dreg:$0x5];
	[sflag:s8] =	ssyncadd.s32 $0xFFFFFF80  }
0x17: {  	[tilespmem:s20], [sflag:$0x2] =	stream.linear.gather [hbm4b:s1+s2], $0x80, $0x38;
	[tilespmem:$0x10100] =	vst v63  }
0x18: {  	_ =	swait.ge [sflag:s8], $0x80  }
0x19: {  	[sflag:s8] =	ssyncset.done $0x0  }
0x1a: {  	s0 =	simm.s32 $0x100;
	s9 =	rddreg [dreg:$0x4];
	[sflag:s8] =	ssyncadd.s32 $0xFFFFFF80  }
0x1b: {  	[tilespmem:s0], [sflag:$0x2] =	stream.linear.gather [hbm4b:s9+s2], $0x10000, $0x38;
	[tilespmem:$0x10100] =	vst v63  }
0x1c: {  	_ =	swait.ge [sflag:s8], $0x10000  }
0x1d: {  	[sflag:s8] =	ssyncset.done $0x0  }
0x1e: {  	[sflag:s8] =	ssyncadd.s32 $0xFFFF0000  }
0x1f: {  	v3 =	vld [tilespmem:$0x0];
	_ =	sdelay $0x4  }
0x20: {  	v4 =	vshll.u32 v3, $0x3  }
0x21: {  	v3 =	vand.u32 $0x7, v3;
	v4 =	vand.u32 $0xFFFFFFC0, v4  }
0x22: {  	v3 =	vor.u32 v3, v4  }
0x23: {  	v4 =	vperm.xlane v3, v0;
	_ =	sdelay $0x1  }
0x24: {  	v4 =	vadd.s32 v1, v4;
	_ =	sdelay $0x4  }
0x25: {  	[hbm4b:s3+s2] =	stream.indirect_vreg.scatter [tilespmem:s0], [sflag:$0x1], $0x80, v4, vm0, $0xb8;
	[tilespmem:$0x10100] =	vst v63  }
0x26: {  	s19 =	simm.s32 $0x900;
	v3 =	vperm.xlane v3, v2  }
0x27: {  	[hbm4b:s4+s2] =	stream.indirect_vreg.scatter [tilespmem:s19], [sflag:$0x1], $0x80, v4, vm0, $0xb8;
	[tilespmem:$0x10100] =	vst v63  }
0x28: {  	s20 =	simm.s32 $0x1100;
	v3 =	vadd.s32 v1, v3  }
0x29: {  	[hbm4b:s5+s2] =	stream.indirect_vreg.scatter [tilespmem:s20], [sflag:$0x1], $0x80, v4, vm0, $0xb8;
	[tilespmem:$0x10100] =	vst v63  }
0x2a: {  	_ = 	snop  }
0x2b: {  	[hbm4b:s6+s2] =	stream.indirect_vreg.scatter [tilespmem:s21], [sflag:$0x1], $0x80, v4, vm0, $0xb8;
	[tilespmem:$0x10100] =	vst v63  }
0x2c: {  	_ = 	snop  }
0x2d: {  	[hbm4b:s3+s2] =	stream.indirect_vreg.scatter [tilespmem:s22], [sflag:$0x1], $0x80, v3, vm0, $0xb8;
	[tilespmem:$0x10100] =	vst v63  }
0x2e: {  	_ = 	snop  }
0x2f: {  	[hbm4b:s4+s2] =	stream.indirect_vreg.scatter [tilespmem:s23], [sflag:$0x1], $0x80, v3, vm0, $0xb8;
	[tilespmem:$0x10100] =	vst v63  }
0x30: {  	_ = 	snop  }
0x31: {  	[hbm4b:s5+s2] =	stream.indirect_vreg.scatter [tilespmem:s24], [sflag:$0x1], $0x80, v3, vm0, $0xb8;
	[tilespmem:$0x10100] =	vst v63  }
0x32: {  	_ = 	snop  }
0x33: {  	[hbm4b:s6+s2] =	stream.indirect_vreg.scatter [tilespmem:s25], [sflag:$0x1], $0x80, v3, vm0, $0xb8;
	[tilespmem:$0x10100] =	vst v63  }
0x34: {  	v3 =	vld [tilespmem:$0x10];
	_ =	sdelay $0x4  }
0x35: {  	v57 =	vshll.u32 v3, $0x3  }
0x36: {  	v3 =	vand.u32 $0x7, v3;
	v4 =	vand.u32 $0xFFFFFFC0, v57  }
0x37: {  	v3 =	vor.u32 v3, v4  }
0x38: {  	v4 =	vperm.xlane v3, v0;
	_ =	sdelay $0x1  }
0x39: {  	v4 =	vadd.s32 v1, v4;
	_ =	sdelay $0x4  }
0x3a: {  	[hbm4b:s3+s2] =	stream.indirect_vreg.scatter [tilespmem:s26], [sflag:$0x1], $0x80, v4, vm0, $0xb8;
	[tilespmem:$0x10100] =	vst v63  }
0x3b: {  	v3 =	vperm.xlane v3, v2  }
0x3c: {  	[hbm4b:s4+s2] =	stream.indirect_vreg.scatter [tilespmem:s28], [sflag:$0x1], $0x80, v4, vm0, $0xb8;
	[tilespmem:$0x10100] =	vst v63  }
0x3d: {  	v3 =	vadd.s32 v1, v3  }
0x3e: {  	[hbm4b:s5+s2] =	stream.indirect_vreg.scatter [tilespmem:s29], [sflag:$0x1], $0x80, v4, vm0, $0xb8;
	[tilespmem:$0x10100] =	vst v63  }
0x3f: {  	_ = 	snop  }
0x40: {  	[hbm4b:s6+s2] =	stream.indirect_vreg.scatter [tilespmem:s30], [sflag:$0x1], $0x80, v4, vm0, $0xb8;
	[tilespmem:$0x10100] =	vst v63  }
0x41: {  	_ = 	snop  }
0x42: {  	[hbm4b:s3+s2] =	stream.indirect_vreg.scatter [tilespmem:s31], [sflag:$0x1], $0x80, v3, vm0, $0xb8;
	[tilespmem:$0x10100] =	vst v63  }
0x43: {  	s1 =	simm.s32 $0x6900  }
0x44: {  	[hbm4b:s4+s2] =	stream.indirect_vreg.scatter [tilespmem:s1], [sflag:$0x1], $0x80, v3, vm0, $0xb8;
	[tilespmem:$0x10100] =	vst v63  }
0x45: {  	s9 =	simm.s32 $0x7100  }
0x46: {  	[hbm4b:s5+s2] =	stream.indirect_vreg.scatter [tilespmem:s9], [sflag:$0x1], $0x80, v3, vm0, $0xb8;
	[tilespmem:$0x10100] =	vst v63  }
0x47: {  	_ = 	snop  }
0x48: {  	[hbm4b:s6+s2] =	stream.indirect_vreg.scatter [tilespmem:s10], [sflag:$0x1], $0x80, v3, vm0, $0xb8;
	[tilespmem:$0x10100] =	vst v63  }
0x49: {  	v3 =	vld [tilespmem:$0x20];
	_ =	sdelay $0x4  }
0x4a: {  	v58 =	vshll.u32 v3, $0x3  }
0x4b: {  	v3 =	vand.u32 $0x7, v3;
	v4 =	vand.u32 $0xFFFFFFC0, v58  }
0x4c: {  	v3 =	vor.u32 v3, v4  }
0x4d: {  	v4 =	vperm.xlane v3, v0;
	_ =	sdelay $0x1  }
0x4e: {  	v4 =	vadd.s32 v1, v4;
	_ =	sdelay $0x4  }
0x4f: {  	[hbm4b:s3+s2] =	stream.indirect_vreg.scatter [tilespmem:s11], [sflag:$0x1], $0x80, v4, vm0, $0xb8;
	[tilespmem:$0x10100] =	vst v63  }
0x50: {  	v3 =	vperm.xlane v3, v2  }
0x51: {  	[hbm4b:s4+s2] =	stream.indirect_vreg.scatter [tilespmem:s12], [sflag:$0x1], $0x80, v4, vm0, $0xb8;
	[tilespmem:$0x10100] =	vst v63  }
0x52: {  	v3 =	vadd.s32 v1, v3  }
0x53: {  	[hbm4b:s5+s2] =	stream.indirect_vreg.scatter [tilespmem:s13], [sflag:$0x1], $0x80, v4, vm0, $0xb8;
	[tilespmem:$0x10100] =	vst v63  }
0x54: {  	_ = 	snop  }
0x55: {  	[hbm4b:s6+s2] =	stream.indirect_vreg.scatter [tilespmem:s14], [sflag:$0x1], $0x80, v4, vm0, $0xb8;
	[tilespmem:$0x10100] =	vst v63  }
0x56: {  	_ = 	snop  }
0x57: {  	[hbm4b:s3+s2] =	stream.indirect_vreg.scatter [tilespmem:s15], [sflag:$0x1], $0x80, v3, vm0, $0xb8;
	[tilespmem:$0x10100] =	vst v63  }
0x58: {  	_ = 	snop  }
0x59: {  	[hbm4b:s4+s2] =	stream.indirect_vreg.scatter [tilespmem:s16], [sflag:$0x1], $0x80, v3, vm0, $0xb8;
	[tilespmem:$0x10100] =	vst v63  }
0x5a: {  	_ = 	snop  }
0x5b: {  	[hbm4b:s5+s2] =	stream.indirect_vreg.scatter [tilespmem:s17], [sflag:$0x1], $0x80, v3, vm0, $0xb8;
	[tilespmem:$0x10100] =	vst v63  }
0x5c: {  	s9 =	simm.s32 $0xB900  }
0x5d: {  	[hbm4b:s6+s2] =	stream.indirect_vreg.scatter [tilespmem:s9], [sflag:$0x1], $0x80, v3, vm0, $0xb8;
	[tilespmem:$0x10100] =	vst v63  }
0x5e: {  	v3 =	vld [tilespmem:$0x30];
	_ =	sdelay $0x4  }
0x5f: {  	v59 =	vshll.u32 v3, $0x3  }
0x60: {  	v3 =	vand.u32 $0x7, v3;
	v4 =	vand.u32 $0xFFFFFFC0, v59  }
0x61: {  	v3 =	vor.u32 v3, v4  }
0x62: {  	v4 =	vperm.xlane v3, v0;
	_ =	sdelay $0x1  }
0x63: {  	v4 =	vadd.s32 v1, v4;
	_ =	sdelay $0x3  }
0x64: {  	s1 =	simm.s32 $0xC100  }
0x65: {  	[hbm4b:s3+s2] =	stream.indirect_vreg.scatter [tilespmem:s1], [sflag:$0x1], $0x80, v4, vm0, $0xb8;
	[tilespmem:$0x10100] =	vst v63  }
0x66: {  	v3 =	vperm.xlane v3, v2;
	s1 =	simm.s32 $0xC900  }
0x67: {  	[hbm4b:s4+s2] =	stream.indirect_vreg.scatter [tilespmem:s1], [sflag:$0x1], $0x80, v4, vm0, $0xb8;
	[tilespmem:$0x10100] =	vst v63  }
0x68: {  	v3 =	vadd.s32 v1, v3;
	s1 =	simm.s32 $0xD100  }
0x69: {  	[hbm4b:s5+s2] =	stream.indirect_vreg.scatter [tilespmem:s1], [sflag:$0x1], $0x80, v4, vm0, $0xb8;
	[tilespmem:$0x10100] =	vst v63  }
0x6a: {  	s1 =	simm.s32 $0xD900  }
0x6b: {  	[hbm4b:s6+s2] =	stream.indirect_vreg.scatter [tilespmem:s1], [sflag:$0x1], $0x80, v4, vm0, $0xb8;
	[tilespmem:$0x10100] =	vst v63  }
0x6c: {  	s1 =	simm.s32 $0xE100  }
0x6d: {  	[hbm4b:s3+s2] =	stream.indirect_vreg.scatter [tilespmem:s1], [sflag:$0x1], $0x80, v3, vm0, $0xb8;
	[tilespmem:$0x10100] =	vst v63  }
0x6e: {  	s1 =	simm.s32 $0xE900  }
0x6f: {  	[hbm4b:s4+s2] =	stream.indirect_vreg.scatter [tilespmem:s1], [sflag:$0x1], $0x80, v3, vm0, $0xb8;
	[tilespmem:$0x10100] =	vst v63  }
0x70: {  	s1 =	simm.s32 $0xF100  }
0x71: {  	[hbm4b:s5+s2] =	stream.indirect_vreg.scatter [tilespmem:s1], [sflag:$0x1], $0x80, v3, vm0, $0xb8;
	[tilespmem:$0x10100] =	vst v63  }
0x72: {  	s1 =	simm.s32 $0xF900  }
0x73: {  	[hbm4b:s6+s2] =	stream.indirect_vreg.scatter [tilespmem:s1], [sflag:$0x1], $0x80, v3, vm0, $0xb8;
	[tilespmem:$0x10100] =	vst v63  }
0x74: {  	_ =	swait.ge [sflag:s18], $0x10000  }
0x75: {  	[sflag:s18] =	ssyncset.done $0x0  }
0x76: {  	[sflag:s18] =	ssyncadd.s32 $0xFFFF0000  }
0x77: {  	v3 =	vld [tilespmem:$0x80];
	_ =	sdelay $0x4  }
0x78: {  	v60 =	vshll.u32 v3, $0x3  }
0x79: {  	v3 =	vand.u32 $0x7, v3;
	v4 =	vand.u32 $0xFFFFFFC0, v60  }
0x7a: {  	v3 =	vor.u32 v3, v4  }
0x7b: {  	v4 =	vperm.xlane v3, v0;
	_ =	sdelay $0x1  }
0x7c: {  	v4 =	vadd.s32 v1, v4;
	_ =	sdelay $0x4  }
0x7d: {  	[hbm4b:s3+s2] =	stream.indirect_vreg.scatter [tilespmem:s0], [sflag:$0x1], $0x80, v4, vm0, $0xb8;
	[tilespmem:$0x10100] =	vst v63  }
0x7e: {  	v3 =	vperm.xlane v3, v2  }
0x7f: {  	[hbm4b:s4+s2] =	stream.indirect_vreg.scatter [tilespmem:s19], [sflag:$0x1], $0x80, v4, vm0, $0xb8;
	[tilespmem:$0x10100] =	vst v63  }
0x80: {  	v3 =	vadd.s32 v1, v3  }
0x81: {  	[hbm4b:s5+s2] =	stream.indirect_vreg.scatter [tilespmem:s20], [sflag:$0x1], $0x80, v4, vm0, $0xb8;
	[tilespmem:$0x10100] =	vst v63  }
0x82: {  	_ = 	snop  }
0x83: {  	[hbm4b:s6+s2] =	stream.indirect_vreg.scatter [tilespmem:s21], [sflag:$0x1], $0x80, v4, vm0, $0xb8;
	[tilespmem:$0x10100] =	vst v63  }
0x84: {  	_ = 	snop  }
0x85: {  	[hbm4b:s3+s2] =	stream.indirect_vreg.scatter [tilespmem:s22], [sflag:$0x1], $0x80, v3, vm0, $0xb8;
	[tilespmem:$0x10100] =	vst v63  }
0x86: {  	_ = 	snop  }
0x87: {  	[hbm4b:s4+s2] =	stream.indirect_vreg.scatter [tilespmem:s23], [sflag:$0x1], $0x80, v3, vm0, $0xb8;
	[tilespmem:$0x10100] =	vst v63  }
0x88: {  	_ = 	snop  }
0x89: {  	[hbm4b:s5+s2] =	stream.indirect_vreg.scatter [tilespmem:s24], [sflag:$0x1], $0x80, v3, vm0, $0xb8;
	[tilespmem:$0x10100] =	vst v63  }
0x8a: {  	_ = 	snop  }
0x8b: {  	[hbm4b:s6+s2] =	stream.indirect_vreg.scatter [tilespmem:s25], [sflag:$0x1], $0x80, v3, vm0, $0xb8;
	[tilespmem:$0x10100] =	vst v63  }
0x8c: {  	v3 =	vld [tilespmem:$0x90];
	_ =	sdelay $0x4  }
0x8d: {  	v61 =	vshll.u32 v3, $0x3  }
0x8e: {  	v3 =	vand.u32 $0x7, v3;
	v4 =	vand.u32 $0xFFFFFFC0, v61  }
0x8f: {  	v3 =	vor.u32 v3, v4  }
0x90: {  	v4 =	vperm.xlane v3, v0;
	_ =	sdelay $0x1  }
0x91: {  	v4 =	vadd.s32 v1, v4;
	_ =	sdelay $0x4  }
0x92: {  	[hbm4b:s3+s2] =	stream.indirect_vreg.scatter [tilespmem:s26], [sflag:$0x1], $0x80, v4, vm0, $0xb8;
	[tilespmem:$0x10100] =	vst v63  }
0x93: {  	v3 =	vperm.xlane v3, v2  }
0x94: {  	[hbm4b:s4+s2] =	stream.indirect_vreg.scatter [tilespmem:s28], [sflag:$0x1], $0x80, v4, vm0, $0xb8;
	[tilespmem:$0x10100] =	vst v63  }
0x95: {  	v3 =	vadd.s32 v1, v3  }
0x96: {  	[hbm4b:s5+s2] =	stream.indirect_vreg.scatter [tilespmem:s29], [sflag:$0x1], $0x80, v4, vm0, $0xb8;
	[tilespmem:$0x10100] =	vst v63  }
0x97: {  	_ = 	snop  }
0x98: {  	[hbm4b:s6+s2] =	stream.indirect_vreg.scatter [tilespmem:s30], [sflag:$0x1], $0x80, v4, vm0, $0xb8;
	[tilespmem:$0x10100] =	vst v63  }
0x99: {  	_ = 	snop  }
0x9a: {  	[hbm4b:s3+s2] =	stream.indirect_vreg.scatter [tilespmem:s31], [sflag:$0x1], $0x80, v3, vm0, $0xb8;
	[tilespmem:$0x10100] =	vst v63  }
0x9b: {  	s20 =	simm.s32 $0x6900  }
0x9c: {  	[hbm4b:s4+s2] =	stream.indirect_vreg.scatter [tilespmem:s20], [sflag:$0x1], $0x80, v3, vm0, $0xb8;
	[tilespmem:$0x10100] =	vst v63  }
0x9d: {  	s19 =	simm.s32 $0x7100  }
0x9e: {  	[hbm4b:s5+s2] =	stream.indirect_vreg.scatter [tilespmem:s19], [sflag:$0x1], $0x80, v3, vm0, $0xb8;
	[tilespmem:$0x10100] =	vst v63  }
0x9f: {  	_ = 	snop  }
0xa0: {  	[hbm4b:s6+s2] =	stream.indirect_vreg.scatter [tilespmem:s10], [sflag:$0x1], $0x80, v3, vm0, $0xb8;
	[tilespmem:$0x10100] =	vst v63  }
0xa1: {  	v3 =	vld [tilespmem:$0xA0];
	_ =	sdelay $0x4  }
0xa2: {  	v62 =	vshll.u32 v3, $0x3  }
0xa3: {  	v3 =	vand.u32 $0x7, v3;
	v4 =	vand.u32 $0xFFFFFFC0, v62  }
0xa4: {  	v3 =	vor.u32 v3, v4  }
0xa5: {  	v4 =	vperm.xlane v3, v0;
	_ =	sdelay $0x1  }
0xa6: {  	v4 =	vadd.s32 v1, v4;
	_ =	sdelay $0x4  }
0xa7: {  	[hbm4b:s3+s2] =	stream.indirect_vreg.scatter [tilespmem:s11], [sflag:$0x1], $0x80, v4, vm0, $0xb8;
	[tilespmem:$0x10100] =	vst v63  }
0xa8: {  	v3 =	vperm.xlane v3, v2  }
0xa9: {  	[hbm4b:s4+s2] =	stream.indirect_vreg.scatter [tilespmem:s12], [sflag:$0x1], $0x80, v4, vm0, $0xb8;
	[tilespmem:$0x10100] =	vst v63  }
0xaa: {  	v3 =	vadd.s32 v1, v3  }
0xab: {  	[hbm4b:s5+s2] =	stream.indirect_vreg.scatter [tilespmem:s13], [sflag:$0x1], $0x80, v4, vm0, $0xb8;
	[tilespmem:$0x10100] =	vst v63  }
0xac: {  	_ = 	snop  }
0xad: {  	[hbm4b:s6+s2] =	stream.indirect_vreg.scatter [tilespmem:s14], [sflag:$0x1], $0x80, v4, vm0, $0xb8;
	[tilespmem:$0x10100] =	vst v63  }
0xae: {  	_ = 	snop  }
0xaf: {  	[hbm4b:s3+s2] =	stream.indirect_vreg.scatter [tilespmem:s15], [sflag:$0x1], $0x80, v3, vm0, $0xb8;
	[tilespmem:$0x10100] =	vst v63  }
0xb0: {  	_ = 	snop  }
0xb1: {  	[hbm4b:s4+s2] =	stream.indirect_vreg.scatter [tilespmem:s16], [sflag:$0x1], $0x80, v3, vm0, $0xb8;
	[tilespmem:$0x10100] =	vst v63  }
0xb2: {  	_ = 	snop  }
0xb3: {  	[hbm4b:s5+s2] =	stream.indirect_vreg.scatter [tilespmem:s17], [sflag:$0x1], $0x80, v3, vm0, $0xb8;
	[tilespmem:$0x10100] =	vst v63  }
0xb4: {  	_ = 	snop  }
0xb5: {  	[hbm4b:s6+s2] =	stream.indirect_vreg.scatter [tilespmem:s9], [sflag:$0x1], $0x80, v3, vm0, $0xb8;
	[tilespmem:$0x10100] =	vst v63  }
0xb6: {  	v3 =	vld [tilespmem:$0xB0];
	_ =	sdelay $0x4  }
0xb7: {  	v63 =	vshll.u32 v3, $0x3  }
0xb8: {  	v3 =	vand.u32 $0x7, v3;
	v4 =	vand.u32 $0xFFFFFFC0, v63  }
0xb9: {  	v3 =	vor.u32 v3, v4  }
0xba: {  	v4 =	vperm.xlane v3, v0;
	_ =	sdelay $0x1  }
0xbb: {  	v4 =	vadd.s32 v1, v4;
	_ =	sdelay $0x3  }
0xbc: {  	s20 =	simm.s32 $0xC100  }
0xbd: {  	[hbm4b:s3+s2] =	stream.indirect_vreg.scatter [tilespmem:s20], [sflag:$0x1], $0x80, v4, vm0, $0xb8;
	[tilespmem:$0x10100] =	vst v63  }
0xbe: {  	s9 =	simm.s32 $0xC900;
	v3 =	vperm.xlane v3, v2  }
0xbf: {  	[hbm4b:s4+s2] =	stream.indirect_vreg.scatter [tilespmem:s9], [sflag:$0x1], $0x80, v4, vm0, $0xb8;
	[tilespmem:$0x10100] =	vst v63  }
0xc0: {  	s19 =	simm.s32 $0xD100;
	v3 =	vadd.s32 v1, v3  }
0xc1: {  	[hbm4b:s5+s2] =	stream.indirect_vreg.scatter [tilespmem:s19], [sflag:$0x1], $0x80, v4, vm0, $0xb8;
	[tilespmem:$0x10100] =	vst v63  }
0xc2: {  	s20 =	simm.s32 $0xD900  }
0xc3: {  	[hbm4b:s6+s2] =	stream.indirect_vreg.scatter [tilespmem:s20], [sflag:$0x1], $0x80, v4, vm0, $0xb8;
	[tilespmem:$0x10100] =	vst v63  }
0xc4: {  	s9 =	simm.s32 $0xE100  }
0xc5: {  	[hbm4b:s3+s2] =	stream.indirect_vreg.scatter [tilespmem:s9], [sflag:$0x1], $0x80, v3, vm0, $0xb8;
	[tilespmem:$0x10100] =	vst v63  }
0xc6: {  	s19 =	simm.s32 $0xE900  }
0xc7: {  	[hbm4b:s4+s2] =	stream.indirect_vreg.scatter [tilespmem:s19], [sflag:$0x1], $0x80, v3, vm0, $0xb8;
	[tilespmem:$0x10100] =	vst v63  }
0xc8: {  	p0 =	sne.s32 s7, $0x1;
	s20 =	simm.s32 $0xF100  }
0xc9: {  	[hbm4b:s5+s2] =	stream.indirect_vreg.scatter [tilespmem:s20], [sflag:$0x1], $0x80, v3, vm0, $0xb8;
	[tilespmem:$0x10100] =	vst v63  }
.Ltmp0:
0xca: {  	_ = 	snop;
	(pc) =	sbr.rel @p0 .LBB2_1-.Ltmp0, $4  }
0xcb: {  	[hbm4b:s6+s2] =	stream.indirect_vreg.scatter [tilespmem:s1], [sflag:$0x1], $0x80, v3, vm0, $0xb8;
	[tilespmem:$0x10100] =	vst v63  }
0xcc: {  	_ =	swait.ge [sflag:s18], $0x10000  }
0xcd: {  	[sflag:s18] =	ssyncset.done $0x0  }
0xce: {  	s7 =	sadd.s32 $0xFFFFFFFF, s7;
	[sflag:s18] =	ssyncadd.s32 $0xFFFF0000  }
0xcf: {  	_ =	sfence.sel $0x180000  }
0xd0: {  	[bflag:$0x0] =	sbarrier.arrive $0xFFFF  }
0xd1: {  	_ =	strace $0x90000047  }
0xd2: {  	s0 =	stileid.u32;
	[bflag:$0x2] =	sbarrier.arrive $0xFFFF  }
0xd3: {  	p0 =	sne.s32 s0, $0x0;
	s0 =	rddreg [dreg:$0x1]  }
0xd4: {  	s0 =	sadd.s32 @!p0 $0x100000, s0  }
0xd5: {  	[sflag:s0] =	ssyncadd.tile.s32 @!p0 $0x1;
	_ =	shalt  }
.Lfunc_end2:
_tile_overlayer_lowered:
.L_overlay_start_2:
0xd6: {  	(tag) =	ssettag $0x2  }
0xd7: {  	s0 =	rddreg [dreg:$0x0];
	s2 =	stileid.u32  }
0xd8: {  	s1 =	rddreg [dreg:$0x1];
	p0 =	sne.s32 s2, $0x0  }
0xd9: {  	s3 =	rddreg [dreg:$0x2];
	[bflag:$0x3] =	sbarrier.arrive $0xFFFF;
	s2 =	simm.s32 @!p0 $0x1C02  }
0xda: {  	[timem:s3], [sflag:s2] =	dma.local @!p0 [hbm:s0], s1  }
0xdb: {  	s0 =	simm.s32 @!p0 $0x2  }
0xdc: {  	_ =	swait.ge @!p0 [sflag:s0], s1  }
0xdd: {  	s1 =	ssub.s32 @!p0 $0x0, s1;
	[sflag:s0] =	ssyncset.done @!p0 $0x0  }
0xde: {  	[sflag:s0] =	ssyncadd.s32 @!p0 s1  }
0xdf: {  	[bflag:$0x3] =	sbarrier.arrive $0xFFFF  }
0xe0: {  	_ =	shalt  }

</sc_bundles>
